<compile_context>
chip_gen: v7x
topology: tpu7x:2x2x1
jax: 0.10.2.dev20260603
libtpu: 0.0.44.dev20260713+nightly
codegen_flags: <defaults>
</compile_context>

<pallas_src>
import functools

import jax
import jax.numpy as jnp
from jax import lax
from jax.experimental import pallas as pl
from jax.experimental.pallas import tpu as pltpu
from jax.experimental.pallas import tpu_sc as plsc

B, N, D, K, HID = 8, 2048, 64, 16, 12
EPS = 1e-5
TW = 2 * D
BN1 = 512
BN3 = 512
NB1 = N // BN1

NC, NS = 2, 16
NW = NC * NS
L = 16
R = K * B * N
RPW = R // NW
CH = 128
NCH = RPW // CH

_INF = 3.0e38


def _stage1_body(pos_ref, post_ref, x_ref, wkT_ref, wvT_ref, a1T_ref,
                 tab_ref, idx_ref, pos4_ref):
    b = pl.program_id(0)
    pb = pos_ref[0]
    pT = post_ref[0]
    xb = x_ref[0]

    xk = jnp.dot(xb, wkT_ref[...], preferred_element_type=jnp.float32)
    tab_ref[:, 0:D] = jnp.dot(xk, a1T_ref[...], preferred_element_type=jnp.float32)
    tab_ref[:, D:TW] = jnp.dot(xb, wvT_ref[...], preferred_element_type=jnp.float32)

    sqi = jnp.sum(pb * pb, axis=1, keepdims=True)
    sqj = jnp.sum(pT * pT, axis=0, keepdims=True)
    pbh = pb.astype(jnp.bfloat16).astype(jnp.float32)
    pTh = pT.astype(jnp.bfloat16).astype(jnp.float32)
    dot = (pbh[:, 0:1] * pTh[0:1, :]
           + pbh[:, 1:2] * pTh[1:2, :]
           + pbh[:, 2:3] * pTh[2:3, :])
    dw = (sqi + sqj) - 2.0 * dot

    iota = lax.broadcasted_iota(jnp.int32, (BN1, N), 1)
    cols = []
    for _ in range(K):
        sel = jnp.argmin(dw, axis=1).astype(jnp.int32).reshape(BN1, 1)
        dw = jnp.where(iota == sel, _INF, dw)
        cols.append(sel.astype(jnp.float32))
    gi = jnp.concatenate(cols, axis=1)
    idx_ref[...] = jnp.transpose(gi, (1, 0)).astype(jnp.int32) + b * N
    pos4_ref[...] = jnp.concatenate(
        [pb, jnp.zeros((BN1, 1), jnp.float32)], axis=1)


def _stage3_body(x_ref, pos_ref, g_ref, p_ref, wqT_ref, pw1T_ref, pb1_ref,
                 pg_ref, pbeta_ref, pw2T_ref, pb2_ref, a1T_ref, ab1_ref,
                 ag_ref, abeta_ref, a2T_ref, ab2_ref, o_ref):
    f32 = jnp.float32
    xb = x_ref[...]
    pb = pos_ref[...][:, 0:3]
    a1T = a1T_ref[...]
    a2T = a2T_ref[...]
    pw2T = pw2T_ref[...]
    qa = jnp.dot(xb, jnp.dot(wqT_ref[...], a1T, preferred_element_type=f32),
                 preferred_element_type=f32)
    pw2a = jnp.dot(pw2T, a1T, preferred_element_type=f32)
    cb = jnp.dot(pb2_ref[...], a1T, preferred_element_type=f32) + ab1_ref[...]
    w1h = pw1T_ref[...].astype(jnp.bfloat16).astype(f32)
    M12 = jnp.full((HID, HID), 1.0 / HID, f32)
    M64 = jnp.full((D, D), 1.0 / D, f32)

    GF = g_ref[...].reshape(K * BN3, TW)
    KA = GF[:, 0:D]
    V = GF[:, D:TW]
    PF = p_ref[...].reshape(K * BN3, 4)
    PBT = jnp.concatenate([pb] * K, axis=0)
    QAT = jnp.concatenate([qa] * K, axis=0)
    pr = PBT - PF[:, 0:3]
    prh = pr.astype(jnp.bfloat16).astype(f32)
    H = (prh[:, 0:1] * w1h[0:1, :]
         + prh[:, 1:2] * w1h[1:2, :]
         + prh[:, 2:3] * w1h[2:3, :]) + pb1_ref[...]
    MU = jnp.dot(H, M12, preferred_element_type=f32)
    T = H - MU
    VAR = jnp.dot(T * T, M12, preferred_element_type=f32)
    HN = T * lax.rsqrt(VAR + EPS) * pg_ref[...] + pbeta_ref[...]
    RL = jnp.maximum(HN, 0.0)
    PE = jnp.dot(RL, pw2T, preferred_element_type=f32) + pb2_ref[...]
    W1L = QAT - KA + jnp.dot(RL, pw2a, preferred_element_type=f32) + cb
    MU2 = jnp.dot(W1L, M64, preferred_element_type=f32)
    T2 = W1L - MU2
    VAR2 = jnp.dot(T2 * T2, M64, preferred_element_type=f32)
    WN = T2 * lax.rsqrt(VAR2 + EPS) * ag_ref[...] + abeta_ref[...]
    WR = jnp.maximum(WN, 0.0)
    LOGIT = jnp.dot(WR, a2T, preferred_element_type=f32)
    VAL = V + PE

    L3 = LOGIT.reshape(K, BN3, D)
    V3 = VAL.reshape(K, BN3, D)
    m = L3[0]
    for k in range(1, K):
        m = jnp.maximum(m, L3[k])
    s = None
    acc = None
    for k in range(K):
        e = jnp.exp(L3[k] - m)
        s = e if s is None else s + e
        ev = e * V3[k]
        acc = ev if acc is None else acc + ev
    o_ref[...] = acc / s


def _sc_gather_body(tab_hbm, gidx_hbm, pos4_hbm, out_hbm, pout_hbm,
                    idx0_v, idx1_v, rows0_v, rows1_v, ptab_v, prow0_v,
                    prow1_v, sem0, sem1):
    wid = lax.axis_index("s") * NC + lax.axis_index("c")
    pltpu.sync_copy(pos4_hbm, ptab_v)
    lane = lax.broadcasted_iota(jnp.int32, (L,), 0)

    def pos_gather(idx_v, prow_v):
        for i in range(CH // L):
            iv = idx_v[pl.ds(i * L, L)] * 4
            for c in range(3):
                px = plsc.load_gather(ptab_v, [iv + c])
                plsc.store_scatter(prow_v, [lane * 4 + (i * 4 * L + c)], px)

    def body(u, carry):
        t0 = 2 * u
        t1 = t0 + 1
        b0 = wid * RPW + t0 * CH
        b1 = wid * RPW + t1 * CH
        pltpu.sync_copy(gidx_hbm.at[pl.ds(b0, CH)], idx0_v)
        cp0 = pltpu.async_copy(tab_hbm.at[idx0_v], rows0_v, sem0)
        pltpu.sync_copy(gidx_hbm.at[pl.ds(b1, CH)], idx1_v)
        cp1 = pltpu.async_copy(tab_hbm.at[idx1_v], rows1_v, sem1)
        pos_gather(idx0_v, prow0_v)
        cp0.wait()
        pltpu.sync_copy(rows0_v, out_hbm.at[pl.ds(b0, CH)])
        pltpu.sync_copy(prow0_v, pout_hbm.at[pl.ds(b0 * 4, CH * 4)])
        pos_gather(idx1_v, prow1_v)
        cp1.wait()
        pltpu.sync_copy(rows1_v, out_hbm.at[pl.ds(b1, CH)])
        pltpu.sync_copy(prow1_v, pout_hbm.at[pl.ds(b1 * 4, CH * 4)])
        return carry

    lax.fori_loop(0, NCH // 2, body, 0)


def _stage1_call(pos, posT, x, WkT, WvT, a1T):
    return pl.pallas_call(
        _stage1_body,
        grid=(B, NB1),
        in_specs=[
            pl.BlockSpec((1, BN1, 3), lambda b, i: (b, i, 0)),
            pl.BlockSpec((1, 3, N), lambda b, i: (b, 0, 0)),
            pl.BlockSpec((1, BN1, D), lambda b, i: (b, i, 0)),
            pl.BlockSpec((D, D), lambda b, i: (0, 0)),
            pl.BlockSpec((D, D), lambda b, i: (0, 0)),
            pl.BlockSpec((D, D), lambda b, i: (0, 0)),
        ],
        out_specs=[
            pl.BlockSpec((BN1, TW), lambda b, i: (b * NB1 + i, 0)),
            pl.BlockSpec((K, BN1), lambda b, i: (0, b * NB1 + i)),
            pl.BlockSpec((BN1, 4), lambda b, i: (b * NB1 + i, 0)),
        ],
        out_shape=[
            jax.ShapeDtypeStruct((B * N, TW), jnp.float32),
            jax.ShapeDtypeStruct((K, B * N), jnp.int32),
            jax.ShapeDtypeStruct((B * N, 4), jnp.float32),
        ],
    )(pos, posT, x, WkT, WvT, a1T)


def _stage2_call(tab, gidx_kmajor, pos4):
    run = pl.kernel(
        _sc_gather_body,
        out_type=(jax.ShapeDtypeStruct((R, TW), jnp.float32),
                  jax.ShapeDtypeStruct((R * 4,), jnp.float32)),
        mesh=plsc.VectorSubcoreMesh(core_axis_name="c", subcore_axis_name="s",
                                    num_cores=NC, num_subcores=NS),
        scratch_types=[
            pltpu.VMEM((CH,), jnp.int32),
            pltpu.VMEM((CH,), jnp.int32),
            pltpu.VMEM((CH, TW), jnp.float32),
            pltpu.VMEM((CH, TW), jnp.float32),
            pltpu.VMEM((B * N * 4,), jnp.float32),
            pltpu.VMEM((CH * 4,), jnp.float32),
            pltpu.VMEM((CH * 4,), jnp.float32),
            pltpu.SemaphoreType.DMA,
            pltpu.SemaphoreType.DMA,
        ],
        compiler_params=pltpu.CompilerParams(needs_layout_passes=False),
    )
    return run(tab, gidx_kmajor, pos4)


def _stage3_call(x2, pos2, G, P, WqT, pw1T, pb1, pg, pbeta, pw2T, pb2,
                 a1T, ab1, ag, abeta, a2T, ab2):
    nsteps = (B * N) // BN3
    full = lambda r, c: pl.BlockSpec((r, c), lambda i: (0, 0))
    return pl.pallas_call(
        _stage3_body,
        grid=(nsteps,),
        in_specs=[
            pl.BlockSpec((BN3, D), lambda i: (i, 0)),
            pl.BlockSpec((BN3, 4), lambda i: (i, 0)),
            pl.BlockSpec((K, BN3, TW), lambda i: (0, i, 0)),
            pl.BlockSpec((K, BN3, 4), lambda i: (0, i, 0)),
            full(D, D), full(3, HID), full(1, HID), full(1, HID),
            full(1, HID), full(HID, D), full(1, D), full(D, D), full(1, D),
            full(1, D), full(1, D), full(D, D), full(1, D),
        ],
        out_specs=pl.BlockSpec((BN3, D), lambda i: (i, 0)),
        out_shape=jax.ShapeDtypeStruct((B * N, D), jnp.float32),
    )(x2, pos2, G, P, WqT, pw1T, pb1, pg, pbeta, pw2T, pb2,
      a1T, ab1, ag, abeta, a2T, ab2)


def kernel(x, pos, Wq, Wk, Wv, pos_w1, pos_b1, pos_g, pos_beta, pos_w2,
           pos_b2, attn_w1, attn_b1, attn_g, attn_beta, attn_w2, attn_b2):
    posT = jnp.swapaxes(pos, 1, 2)
    tab, gidx, pos42d = _stage1_call(pos, posT, x, Wk.T, Wv.T, attn_w1.T)
    gidx_kmajor = gidx.reshape(R)
    G, P = _stage2_call(tab, gidx_kmajor, pos42d.reshape(B * N * 4))
    G = G.reshape(K, B * N, TW)
    P = P.reshape(K, B * N, 4)
    agg = _stage3_call(
        x.reshape(B * N, D), pos42d, G, P,
        Wq.T, pos_w1.T, pos_b1.reshape(1, HID), pos_g.reshape(1, HID),
        pos_beta.reshape(1, HID), pos_w2.T, pos_b2.reshape(1, D),
        attn_w1.T, attn_b1.reshape(1, D), attn_g.reshape(1, D),
        attn_beta.reshape(1, D), attn_w2.T, attn_b2.reshape(1, D))
    return agg.reshape(B, N, D)

# --- scband reference (transcript-rebuilt; emitter-appended) ---
"""Pipeline reference for scband-point-transformer-layer-1400159339071 (READ-ONLY COPY).

The authoritative reference and input builder live on the scoring server;
editing this copy changes nothing except your own understanding.
"""

import jax, jax.numpy as jnp
import numpy as np

B, N, DIM, KNN, HID = 8, 2048, 64, 16, 12
EPS = 1e-5


def _layer_norm(x, g, b):
    m = jnp.mean(x, axis=-1, keepdims=True)
    v = jnp.mean((x - m) ** 2, axis=-1, keepdims=True)
    return (x - m) / jnp.sqrt(v + EPS) * g + b


def _knn_idx(pos, k):
    # brute-force kNN (== pytorch3d ops.knn_points with return_sorted=True)
    sq = jnp.sum(pos * pos, axis=-1)
    d = sq[:, :, None] + sq[:, None, :] - 2.0 * jnp.einsum('bnc,bmc->bnm', pos, pos)
    _, idx = jax.lax.top_k(-d, k)  # smallest distances first (sorted ascending)
    return idx


def _gather(points, idx):
    # points [B, N, C], idx [B, S, K] -> [B, S, K, C]  (== index_points / idx_pt)
    return jax.vmap(lambda p, i: p[i])(points, idx)


def setup_inputs(seed: int = 0):
    key = jax.random.key(seed)
    ks = jax.random.split(key, 20)
    s = 0.1
    inp = {}
    inp['x'] = jax.random.normal(ks[0], (B, N, DIM), jnp.float32)
    inp['pos'] = jax.random.normal(ks[1], (B, N, 3), jnp.float32)
    inp['Wq'] = jax.random.normal(ks[2], (DIM, DIM), jnp.float32) * s
    inp['Wk'] = jax.random.normal(ks[3], (DIM, DIM), jnp.float32) * s
    inp['Wv'] = jax.random.normal(ks[4], (DIM, DIM), jnp.float32) * s
    inp['pos_w1'] = jax.random.normal(ks[5], (HID, 3), jnp.float32) * s
    inp['pos_b1'] = jnp.zeros((HID,), jnp.float32)
    inp['pos_g'] = jnp.ones((HID,), jnp.float32)
    inp['pos_beta'] = jnp.zeros((HID,), jnp.float32)
    inp['pos_w2'] = jax.random.normal(ks[6], (DIM, HID), jnp.float32) * s
    inp['pos_b2'] = jnp.zeros((DIM,), jnp.float32)
    inp['attn_w1'] = jax.random.normal(ks[7], (DIM, DIM), jnp.float32) * s
    inp['attn_b1'] = jnp.zeros((DIM,), jnp.float32)
    inp['attn_g'] = jnp.ones((DIM,), jnp.float32)
    inp['attn_beta'] = jnp.zeros((DIM,), jnp.float32)
    inp['attn_w2'] = jax.random.normal(ks[8], (DIM, DIM), jnp.float32) * s
    inp['attn_b2'] = jnp.zeros((DIM,), jnp.float32)
    return inp


def reference(x, pos, Wq, Wk, Wv, pos_w1, pos_b1, pos_g, pos_beta, pos_w2, pos_b2, attn_w1, attn_b1, attn_g, attn_beta, attn_w2, attn_b2):
    idx = _knn_idx(pos, KNN)                 # [B, N, K] int32
    knn_xyz = _gather(pos, idx)              # [B, N, K, 3]
    q = x @ Wq.T                             # [B, N, D]
    kf = _gather(x @ Wk.T, idx)              # [B, N, K, D]
    v = _gather(x @ Wv.T, idx)               # [B, N, K, D]
    pos_rel = pos[:, :, None, :] - knn_xyz   # [B, N, K, 3]
    h = pos_rel @ pos_w1.T + pos_b1
    h = jax.nn.relu(_layer_norm(h, pos_g, pos_beta))
    pos_enc = h @ pos_w2.T + pos_b2          # [B, N, K, D]
    w = q[:, :, None, :] - kf + pos_enc
    w = w @ attn_w1.T + attn_b1
    w = jax.nn.relu(_layer_norm(w, attn_g, attn_beta))
    w = w @ attn_w2.T + attn_b2
    attn = jax.nn.softmax(w, axis=-2)        # softmax over K neighbors
    agg = jnp.einsum('bijd,bijd->bid', attn, v + pos_enc)
    return agg

if __name__ == "__main__":
    import jax
    _d = setup_inputs()
    print(jax.jit(kernel)(*tuple(_d.values())))

</pallas_src>

<mosaic_0001>
#map = affine_map<(d0, d1) -> (0, 0)>
#map1 = affine_map<(d0, d1) -> (0)>
module attributes {stable_mosaic.version = 14 : i64} {
  func.func @_sc_gather_body(%arg0: i32, %arg1: i32, %arg2: memref<16384x128xf32, #tpu.memory_space<hbm>>, %arg3: memref<262144xi32, #tpu.memory_space<hbm>>, %arg4: memref<65536xf32, #tpu.memory_space<hbm>>, %arg5: memref<262144x128xf32, #tpu.memory_space<hbm>>, %arg6: memref<1048576xf32, #tpu.memory_space<hbm>>, %arg7: memref<128xi32, #tpu.memory_space<vmem>>, %arg8: memref<128xi32, #tpu.memory_space<vmem>>, %arg9: memref<128x128xf32, #tpu.memory_space<vmem>>, %arg10: memref<128x128xf32, #tpu.memory_space<vmem>>, %arg11: memref<65536xf32, #tpu.memory_space<vmem>>, %arg12: memref<512xf32, #tpu.memory_space<vmem>>, %arg13: memref<512xf32, #tpu.memory_space<vmem>>, %arg14: memref<!tpu.dma_semaphore, #tpu.memory_space<semaphore_mem>>, %arg15: memref<!tpu.dma_semaphore, #tpu.memory_space<semaphore_mem>>) attributes {dimension_semantics = [#tpu.dimension_semantics<core_parallel>, #tpu.dimension_semantics<subcore_parallel>], iteration_bounds = array<i64: 2, 16>, scalar_prefetch = 0 : i64, scratch_operands = 9 : i64, tpu.core_type = #tpu.core_type<sc_vector_subcore>, window_params = [{transform_indices = #map}, {transform_indices = #map1}, {transform_indices = #map1}, {transform_indices = #map}, {transform_indices = #map1}]} {
    %mul3A = arith.constant 2 : i32
    %mul3A_0 = arith.muli %arg1, %mul3A : i32
    %add3A = arith.addi %mul3A_0, %arg0 : i32
    "tpu.region"() ({
      %run_scoped3A = tpu.sem_alloc : memref<!tpu.dma_semaphore, #tpu.memory_space<semaphore_mem>>
      tpu.enqueue_dma source(%arg4 : memref<65536xf32, #tpu.memory_space<hbm>>) target(%arg11 : memref<65536xf32, #tpu.memory_space<vmem>>) target_semaphore(%run_scoped3A : memref<!tpu.dma_semaphore, #tpu.memory_space<semaphore_mem>>)
      tpu.wait_dma2 semaphore(%run_scoped3A : memref<!tpu.dma_semaphore, #tpu.memory_space<semaphore_mem>>) src(%arg4 : memref<65536xf32, #tpu.memory_space<hbm>>) dst(%arg11 : memref<65536xf32, #tpu.memory_space<vmem>>)
      tpu.yield
    }) : () -> ()
    %iota3A = tpu.iota {dimensions = array<i32: 0>} : vector<16xi32>
    %scan3A = arith.constant 0 : i32
    %scan3A_1 = arith.constant 0 : i32
    %scan3A_2 = arith.constant 32 : i32
    %scan3A_3 = arith.addi %scan3A_1, %scan3A_2 : i32
    %scan3A_4 = arith.constant 1 : i32
    scf.for %scan3A_6 = %scan3A_1 to %scan3A_3 step %scan3A_4  : i32 {
      %mul3A_7 = arith.constant 2 : i32
      %mul3A_8 = arith.muli %mul3A_7, %scan3A_6 : i32
      %add3A_9 = arith.constant 1 : i32
      %add3A_10 = arith.addi %mul3A_8, %add3A_9 : i32
      %mul3A_11 = arith.constant 8192 : i32
      %mul3A_12 = arith.muli %add3A, %mul3A_11 : i32
      %mul3A_13 = arith.constant 128 : i32
      %mul3A_14 = arith.muli %mul3A_8, %mul3A_13 : i32
      %add3A_15 = arith.addi %mul3A_12, %mul3A_14 : i32
      %mul3A_16 = arith.constant 8192 : i32
      %mul3A_17 = arith.muli %add3A, %mul3A_16 : i32
      %mul3A_18 = arith.constant 128 : i32
      %mul3A_19 = arith.muli %add3A_10, %mul3A_18 : i32
      %add3A_20 = arith.addi %mul3A_17, %mul3A_19 : i32
      "tpu.region"() ({
        %run_scoped3A = tpu.sem_alloc : memref<!tpu.dma_semaphore, #tpu.memory_space<semaphore_mem>>
        %dma_start3A_593 = tpu.memref_slice %arg3[%add3A_15] : memref<262144xi32, #tpu.memory_space<hbm>> -> memref<128xi32, #tpu.memory_space<hbm>>
        %dma_start3A_594 = tpu.memref_slice %arg3[%add3A_15] : memref<262144xi32, #tpu.memory_space<hbm>> -> memref<128xi32, #tpu.memory_space<hbm>>
        tpu.enqueue_dma source(%dma_start3A_594 : memref<128xi32, #tpu.memory_space<hbm>>) target(%arg7 : memref<128xi32, #tpu.memory_space<vmem>>) target_semaphore(%run_scoped3A : memref<!tpu.dma_semaphore, #tpu.memory_space<semaphore_mem>>)
        %dma_wait3A_595 = tpu.memref_slice %arg3[%add3A_15] : memref<262144xi32, #tpu.memory_space<hbm>> -> memref<128xi32, #tpu.memory_space<hbm>>
        %dma_wait3A_596 = tpu.memref_slice %arg3[%add3A_15] : memref<262144xi32, #tpu.memory_space<hbm>> -> memref<128xi32, #tpu.memory_space<hbm>>
        tpu.wait_dma2 semaphore(%run_scoped3A : memref<!tpu.dma_semaphore, #tpu.memory_space<semaphore_mem>>) src(%dma_wait3A_596 : memref<128xi32, #tpu.memory_space<hbm>>) dst(%arg7 : memref<128xi32, #tpu.memory_space<vmem>>)
        tpu.yield
      }) : () -> ()
      %dma_start3A = arith.constant 0 : i32
      %dma_start3A_21 = arith.constant 0 : i32
      %dma_start3A_22 = tpu.memref_slice %arg2[%dma_start3A, %dma_start3A_21] : memref<16384x128xf32, #tpu.memory_space<hbm>> -> memref<16384x128xf32, #tpu.memory_space<hbm>>
      tpu.enqueue_indirect_dma source(%dma_start3A_22 : memref<16384x128xf32, #tpu.memory_space<hbm>>) target(%arg9 : memref<128x128xf32, #tpu.memory_space<vmem>>) offsets(%arg7 : memref<128xi32, #tpu.memory_space<vmem>>) semaphore(%arg14 : memref<!tpu.dma_semaphore, #tpu.memory_space<semaphore_mem>>)
      "tpu.region"() ({
        %run_scoped3A = tpu.sem_alloc : memref<!tpu.dma_semaphore, #tpu.memory_space<semaphore_mem>>
        %dma_start3A_593 = tpu.memref_slice %arg3[%add3A_20] : memref<262144xi32, #tpu.memory_space<hbm>> -> memref<128xi32, #tpu.memory_space<hbm>>
        %dma_start3A_594 = tpu.memref_slice %arg3[%add3A_20] : memref<262144xi32, #tpu.memory_space<hbm>> -> memref<128xi32, #tpu.memory_space<hbm>>
        tpu.enqueue_dma source(%dma_start3A_594 : memref<128xi32, #tpu.memory_space<hbm>>) target(%arg8 : memref<128xi32, #tpu.memory_space<vmem>>) target_semaphore(%run_scoped3A : memref<!tpu.dma_semaphore, #tpu.memory_space<semaphore_mem>>)
        %dma_wait3A_595 = tpu.memref_slice %arg3[%add3A_20] : memref<262144xi32, #tpu.memory_space<hbm>> -> memref<128xi32, #tpu.memory_space<hbm>>
        %dma_wait3A_596 = tpu.memref_slice %arg3[%add3A_20] : memref<262144xi32, #tpu.memory_space<hbm>> -> memref<128xi32, #tpu.memory_space<hbm>>
        tpu.wait_dma2 semaphore(%run_scoped3A : memref<!tpu.dma_semaphore, #tpu.memory_space<semaphore_mem>>) src(%dma_wait3A_596 : memref<128xi32, #tpu.memory_space<hbm>>) dst(%arg8 : memref<128xi32, #tpu.memory_space<vmem>>)
        tpu.yield
      }) : () -> ()
      %dma_start3A_23 = arith.constant 0 : i32
      %dma_start3A_24 = arith.constant 0 : i32
      %dma_start3A_25 = tpu.memref_slice %arg2[%dma_start3A_23, %dma_start3A_24] : memref<16384x128xf32, #tpu.memory_space<hbm>> -> memref<16384x128xf32, #tpu.memory_space<hbm>>
      tpu.enqueue_indirect_dma source(%dma_start3A_25 : memref<16384x128xf32, #tpu.memory_space<hbm>>) target(%arg10 : memref<128x128xf32, #tpu.memory_space<vmem>>) offsets(%arg8 : memref<128xi32, #tpu.memory_space<vmem>>) semaphore(%arg15 : memref<!tpu.dma_semaphore, #tpu.memory_space<semaphore_mem>>)
      %get3A = arith.constant 0 : index
      %get3A_26 = tpu.vector_load %arg7[%get3A] {strides = array<i32>} : memref<128xi32, #tpu.memory_space<vmem>>, vector<16xi32>,
      %mul3A_27 = arith.constant 4 : i32
      %mul3A_28 = vector.broadcast %mul3A_27 : i32 to vector<16xi32>
      %mul3A_29 = arith.muli %get3A_26, %mul3A_28 : vector<16xi32>
      %add3A_30 = arith.constant 0 : i32
      %add3A_31 = vector.broadcast %add3A_30 : i32 to vector<16xi32>
      %add3A_32 = arith.addi %mul3A_29, %add3A_31 : vector<16xi32>
      %gather3A = tpu.vector_load_idx %arg11[%add3A_32] : memref<65536xf32, #tpu.memory_space<vmem>>[vector<16xi32>], vector<16xf32>,
      %mul3A_33 = arith.constant 4 : i32
      %mul3A_34 = vector.broadcast %mul3A_33 : i32 to vector<16xi32>
      %mul3A_35 = arith.muli %iota3A, %mul3A_34 : vector<16xi32>
      %add3A_36 = arith.constant 0 : i32
      %add3A_37 = vector.broadcast %add3A_36 : i32 to vector<16xi32>
      %add3A_38 = arith.addi %mul3A_35, %add3A_37 : vector<16xi32>
      tpu.vector_store_idx %arg12[%add3A_38], %gather3A : memref<512xf32, #tpu.memory_space<vmem>>[vector<16xi32>], vector<16xf32>,
      %add3A_39 = arith.constant 1 : i32
      %add3A_40 = vector.broadcast %add3A_39 : i32 to vector<16xi32>
      %add3A_41 = arith.addi %mul3A_29, %add3A_40 : vector<16xi32>
      %gather3A_42 = tpu.vector_load_idx %arg11[%add3A_41] : memref<65536xf32, #tpu.memory_space<vmem>>[vector<16xi32>], vector<16xf32>,
      %mul3A_43 = arith.constant 4 : i32
      %mul3A_44 = vector.broadcast %mul3A_43 : i32 to vector<16xi32>
      %mul3A_45 = arith.muli %iota3A, %mul3A_44 : vector<16xi32>
      %add3A_46 = arith.constant 1 : i32
      %add3A_47 = vector.broadcast %add3A_46 : i32 to vector<16xi32>
      %add3A_48 = arith.addi %mul3A_45, %add3A_47 : vector<16xi32>
      tpu.vector_store_idx %arg12[%add3A_48], %gather3A_42 : memref<512xf32, #tpu.memory_space<vmem>>[vector<16xi32>], vector<16xf32>,
      %add3A_49 = arith.constant 2 : i32
      %add3A_50 = vector.broadcast %add3A_49 : i32 to vector<16xi32>
      %add3A_51 = arith.addi %mul3A_29, %add3A_50 : vector<16xi32>
      %gather3A_52 = tpu.vector_load_idx %arg11[%add3A_51] : memref<65536xf32, #tpu.memory_space<vmem>>[vector<16xi32>], vector<16xf32>,
      %mul3A_53 = arith.constant 4 : i32
      %mul3A_54 = vector.broadcast %mul3A_53 : i32 to vector<16xi32>
      %mul3A_55 = arith.muli %iota3A, %mul3A_54 : vector<16xi32>
      %add3A_56 = arith.constant 2 : i32
      %add3A_57 = vector.broadcast %add3A_56 : i32 to vector<16xi32>
      %add3A_58 = arith.addi %mul3A_55, %add3A_57 : vector<16xi32>
      tpu.vector_store_idx %arg12[%add3A_58], %gather3A_52 : memref<512xf32, #tpu.memory_space<vmem>>[vector<16xi32>], vector<16xf32>,
      %get3A_59 = arith.constant 16 : index
      %get3A_60 = tpu.vector_load %arg7[%get3A_59] {strides = array<i32>} : memref<128xi32, #tpu.memory_space<vmem>>, vector<16xi32>,
      %mul3A_61 = arith.constant 4 : i32
      %mul3A_62 = vector.broadcast %mul3A_61 : i32 to vector<16xi32>
      %mul3A_63 = arith.muli %get3A_60, %mul3A_62 : vector<16xi32>
      %add3A_64 = arith.constant 0 : i32
      %add3A_65 = vector.broadcast %add3A_64 : i32 to vector<16xi32>
      %add3A_66 = arith.addi %mul3A_63, %add3A_65 : vector<16xi32>
      %gather3A_67 = tpu.vector_load_idx %arg11[%add3A_66] : memref<65536xf32, #tpu.memory_space<vmem>>[vector<16xi32>], vector<16xf32>,
      %mul3A_68 = arith.constant 4 : i32
      %mul3A_69 = vector.broadcast %mul3A_68 : i32 to vector<16xi32>
      %mul3A_70 = arith.muli %iota3A, %mul3A_69 : vector<16xi32>
      %add3A_71 = arith.constant 64 : i32
      %add3A_72 = vector.broadcast %add3A_71 : i32 to vector<16xi32>
      %add3A_73 = arith.addi %mul3A_70, %add3A_72 : vector<16xi32>
      tpu.vector_store_idx %arg12[%add3A_73], %gather3A_67 : memref<512xf32, #tpu.memory_space<vmem>>[vector<16xi32>], vector<16xf32>,
      %add3A_74 = arith.constant 1 : i32
      %add3A_75 = vector.broadcast %add3A_74 : i32 to vector<16xi32>
      %add3A_76 = arith.addi %mul3A_63, %add3A_75 : vector<16xi32>
      %gather3A_77 = tpu.vector_load_idx %arg11[%add3A_76] : memref<65536xf32, #tpu.memory_space<vmem>>[vector<16xi32>], vector<16xf32>,
      %mul3A_78 = arith.constant 4 : i32
      %mul3A_79 = vector.broadcast %mul3A_78 : i32 to vector<16xi32>
      %mul3A_80 = arith.muli %iota3A, %mul3A_79 : vector<16xi32>
      %add3A_81 = arith.constant 65 : i32
      %add3A_82 = vector.broadcast %add3A_81 : i32 to vector<16xi32>
      %add3A_83 = arith.addi %mul3A_80, %add3A_82 : vector<16xi32>
      tpu.vector_store_idx %arg12[%add3A_83], %gather3A_77 : memref<512xf32, #tpu.memory_space<vmem>>[vector<16xi32>], vector<16xf32>,
      %add3A_84 = arith.constant 2 : i32
      %add3A_85 = vector.broadcast %add3A_84 : i32 to vector<16xi32>
      %add3A_86 = arith.addi %mul3A_63, %add3A_85 : vector<16xi32>
      %gather3A_87 = tpu.vector_load_idx %arg11[%add3A_86] : memref<65536xf32, #tpu.memory_space<vmem>>[vector<16xi32>], vector<16xf32>,
      %mul3A_88 = arith.constant 4 : i32
      %mul3A_89 = vector.broadcast %mul3A_88 : i32 to vector<16xi32>
      %mul3A_90 = arith.muli %iota3A, %mul3A_89 : vector<16xi32>
      %add3A_91 = arith.constant 66 : i32
      %add3A_92 = vector.broadcast %add3A_91 : i32 to vector<16xi32>
      %add3A_93 = arith.addi %mul3A_90, %add3A_92 : vector<16xi32>
      tpu.vector_store_idx %arg12[%add3A_93], %gather3A_87 : memref<512xf32, #tpu.memory_space<vmem>>[vector<16xi32>], vector<16xf32>,
      %get3A_94 = arith.constant 32 : index
      %get3A_95 = tpu.vector_load %arg7[%get3A_94] {strides = array<i32>} : memref<128xi32, #tpu.memory_space<vmem>>, vector<16xi32>,
      %mul3A_96 = arith.constant 4 : i32
      %mul3A_97 = vector.broadcast %mul3A_96 : i32 to vector<16xi32>
      %mul3A_98 = arith.muli %get3A_95, %mul3A_97 : vector<16xi32>
      %add3A_99 = arith.constant 0 : i32
      %add3A_100 = vector.broadcast %add3A_99 : i32 to vector<16xi32>
      %add3A_101 = arith.addi %mul3A_98, %add3A_100 : vector<16xi32>
      %gather3A_102 = tpu.vector_load_idx %arg11[%add3A_101] : memref<65536xf32, #tpu.memory_space<vmem>>[vector<16xi32>], vector<16xf32>,
      %mul3A_103 = arith.constant 4 : i32
      %mul3A_104 = vector.broadcast %mul3A_103 : i32 to vector<16xi32>
      %mul3A_105 = arith.muli %iota3A, %mul3A_104 : vector<16xi32>
      %add3A_106 = arith.constant 128 : i32
      %add3A_107 = vector.broadcast %add3A_106 : i32 to vector<16xi32>
      %add3A_108 = arith.addi %mul3A_105, %add3A_107 : vector<16xi32>
      tpu.vector_store_idx %arg12[%add3A_108], %gather3A_102 : memref<512xf32, #tpu.memory_space<vmem>>[vector<16xi32>], vector<16xf32>,
      %add3A_109 = arith.constant 1 : i32
      %add3A_110 = vector.broadcast %add3A_109 : i32 to vector<16xi32>
      %add3A_111 = arith.addi %mul3A_98, %add3A_110 : vector<16xi32>
      %gather3A_112 = tpu.vector_load_idx %arg11[%add3A_111] : memref<65536xf32, #tpu.memory_space<vmem>>[vector<16xi32>], vector<16xf32>,
      %mul3A_113 = arith.constant 4 : i32
      %mul3A_114 = vector.broadcast %mul3A_113 : i32 to vector<16xi32>
      %mul3A_115 = arith.muli %iota3A, %mul3A_114 : vector<16xi32>
      %add3A_116 = arith.constant 129 : i32
      %add3A_117 = vector.broadcast %add3A_116 : i32 to vector<16xi32>
      %add3A_118 = arith.addi %mul3A_115, %add3A_117 : vector<16xi32>
      tpu.vector_store_idx %arg12[%add3A_118], %gather3A_112 : memref<512xf32, #tpu.memory_space<vmem>>[vector<16xi32>], vector<16xf32>,
      %add3A_119 = arith.constant 2 : i32
      %add3A_120 = vector.broadcast %add3A_119 : i32 to vector<16xi32>
      %add3A_121 = arith.addi %mul3A_98, %add3A_120 : vector<16xi32>
      %gather3A_122 = tpu.vector_load_idx %arg11[%add3A_121] : memref<65536xf32, #tpu.memory_space<vmem>>[vector<16xi32>], vector<16xf32>,
      %mul3A_123 = arith.constant 4 : i32
      %mul3A_124 = vector.broadcast %mul3A_123 : i32 to vector<16xi32>
      %mul3A_125 = arith.muli %iota3A, %mul3A_124 : vector<16xi32>
      %add3A_126 = arith.constant 130 : i32
      %add3A_127 = vector.broadcast %add3A_126 : i32 to vector<16xi32>
      %add3A_128 = arith.addi %mul3A_125, %add3A_127 : vector<16xi32>
      tpu.vector_store_idx %arg12[%add3A_128], %gather3A_122 : memref<512xf32, #tpu.memory_space<vmem>>[vector<16xi32>], vector<16xf32>,
      %get3A_129 = arith.constant 48 : index
      %get3A_130 = tpu.vector_load %arg7[%get3A_129] {strides = array<i32>} : memref<128xi32, #tpu.memory_space<vmem>>, vector<16xi32>,
      %mul3A_131 = arith.constant 4 : i32
      %mul3A_132 = vector.broadcast %mul3A_131 : i32 to vector<16xi32>
      %mul3A_133 = arith.muli %get3A_130, %mul3A_132 : vector<16xi32>
      %add3A_134 = arith.constant 0 : i32
      %add3A_135 = vector.broadcast %add3A_134 : i32 to vector<16xi32>
      %add3A_136 = arith.addi %mul3A_133, %add3A_135 : vector<16xi32>
      %gather3A_137 = tpu.vector_load_idx %arg11[%add3A_136] : memref<65536xf32, #tpu.memory_space<vmem>>[vector<16xi32>], vector<16xf32>,
      %mul3A_138 = arith.constant 4 : i32
      %mul3A_139 = vector.broadcast %mul3A_138 : i32 to vector<16xi32>
      %mul3A_140 = arith.muli %iota3A, %mul3A_139 : vector<16xi32>
      %add3A_141 = arith.constant 192 : i32
      %add3A_142 = vector.broadcast %add3A_141 : i32 to vector<16xi32>
      %add3A_143 = arith.addi %mul3A_140, %add3A_142 : vector<16xi32>
      tpu.vector_store_idx %arg12[%add3A_143], %gather3A_137 : memref<512xf32, #tpu.memory_space<vmem>>[vector<16xi32>], vector<16xf32>,
      %add3A_144 = arith.constant 1 : i32
      %add3A_145 = vector.broadcast %add3A_144 : i32 to vector<16xi32>
      %add3A_146 = arith.addi %mul3A_133, %add3A_145 : vector<16xi32>
      %gather3A_147 = tpu.vector_load_idx %arg11[%add3A_146] : memref<65536xf32, #tpu.memory_space<vmem>>[vector<16xi32>], vector<16xf32>,
      %mul3A_148 = arith.constant 4 : i32
      %mul3A_149 = vector.broadcast %mul3A_148 : i32 to vector<16xi32>
      %mul3A_150 = arith.muli %iota3A, %mul3A_149 : vector<16xi32>
      %add3A_151 = arith.constant 193 : i32
      %add3A_152 = vector.broadcast %add3A_151 : i32 to vector<16xi32>
      %add3A_153 = arith.addi %mul3A_150, %add3A_152 : vector<16xi32>
      tpu.vector_store_idx %arg12[%add3A_153], %gather3A_147 : memref<512xf32, #tpu.memory_space<vmem>>[vector<16xi32>], vector<16xf32>,
      %add3A_154 = arith.constant 2 : i32
      %add3A_155 = vector.broadcast %add3A_154 : i32 to vector<16xi32>
      %add3A_156 = arith.addi %mul3A_133, %add3A_155 : vector<16xi32>
      %gather3A_157 = tpu.vector_load_idx %arg11[%add3A_156] : memref<65536xf32, #tpu.memory_space<vmem>>[vector<16xi32>], vector<16xf32>,
      %mul3A_158 = arith.constant 4 : i32
      %mul3A_159 = vector.broadcast %mul3A_158 : i32 to vector<16xi32>
      %mul3A_160 = arith.muli %iota3A, %mul3A_159 : vector<16xi32>
      %add3A_161 = arith.constant 194 : i32
      %add3A_162 = vector.broadcast %add3A_161 : i32 to vector<16xi32>
      %add3A_163 = arith.addi %mul3A_160, %add3A_162 : vector<16xi32>
      tpu.vector_store_idx %arg12[%add3A_163], %gather3A_157 : memref<512xf32, #tpu.memory_space<vmem>>[vector<16xi32>], vector<16xf32>,
      %get3A_164 = arith.constant 64 : index
      %get3A_165 = tpu.vector_load %arg7[%get3A_164] {strides = array<i32>} : memref<128xi32, #tpu.memory_space<vmem>>, vector<16xi32>,
      %mul3A_166 = arith.constant 4 : i32
      %mul3A_167 = vector.broadcast %mul3A_166 : i32 to vector<16xi32>
      %mul3A_168 = arith.muli %get3A_165, %mul3A_167 : vector<16xi32>
      %add3A_169 = arith.constant 0 : i32
      %add3A_170 = vector.broadcast %add3A_169 : i32 to vector<16xi32>
      %add3A_171 = arith.addi %mul3A_168, %add3A_170 : vector<16xi32>
      %gather3A_172 = tpu.vector_load_idx %arg11[%add3A_171] : memref<65536xf32, #tpu.memory_space<vmem>>[vector<16xi32>], vector<16xf32>,
      %mul3A_173 = arith.constant 4 : i32
      %mul3A_174 = vector.broadcast %mul3A_173 : i32 to vector<16xi32>
      %mul3A_175 = arith.muli %iota3A, %mul3A_174 : vector<16xi32>
      %add3A_176 = arith.constant 256 : i32
      %add3A_177 = vector.broadcast %add3A_176 : i32 to vector<16xi32>
      %add3A_178 = arith.addi %mul3A_175, %add3A_177 : vector<16xi32>
      tpu.vector_store_idx %arg12[%add3A_178], %gather3A_172 : memref<512xf32, #tpu.memory_space<vmem>>[vector<16xi32>], vector<16xf32>,
      %add3A_179 = arith.constant 1 : i32
      %add3A_180 = vector.broadcast %add3A_179 : i32 to vector<16xi32>
      %add3A_181 = arith.addi %mul3A_168, %add3A_180 : vector<16xi32>
      %gather3A_182 = tpu.vector_load_idx %arg11[%add3A_181] : memref<65536xf32, #tpu.memory_space<vmem>>[vector<16xi32>], vector<16xf32>,
      %mul3A_183 = arith.constant 4 : i32
      %mul3A_184 = vector.broadcast %mul3A_183 : i32 to vector<16xi32>
      %mul3A_185 = arith.muli %iota3A, %mul3A_184 : vector<16xi32>
      %add3A_186 = arith.constant 257 : i32
      %add3A_187 = vector.broadcast %add3A_186 : i32 to vector<16xi32>
      %add3A_188 = arith.addi %mul3A_185, %add3A_187 : vector<16xi32>
      tpu.vector_store_idx %arg12[%add3A_188], %gather3A_182 : memref<512xf32, #tpu.memory_space<vmem>>[vector<16xi32>], vector<16xf32>,
      %add3A_189 = arith.constant 2 : i32
      %add3A_190 = vector.broadcast %add3A_189 : i32 to vector<16xi32>
      %add3A_191 = arith.addi %mul3A_168, %add3A_190 : vector<16xi32>
      %gather3A_192 = tpu.vector_load_idx %arg11[%add3A_191] : memref<65536xf32, #tpu.memory_space<vmem>>[vector<16xi32>], vector<16xf32>,
      %mul3A_193 = arith.constant 4 : i32
      %mul3A_194 = vector.broadcast %mul3A_193 : i32 to vector<16xi32>
      %mul3A_195 = arith.muli %iota3A, %mul3A_194 : vector<16xi32>
      %add3A_196 = arith.constant 258 : i32
      %add3A_197 = vector.broadcast %add3A_196 : i32 to vector<16xi32>
      %add3A_198 = arith.addi %mul3A_195, %add3A_197 : vector<16xi32>
      tpu.vector_store_idx %arg12[%add3A_198], %gather3A_192 : memref<512xf32, #tpu.memory_space<vmem>>[vector<16xi32>], vector<16xf32>,
      %get3A_199 = arith.constant 80 : index
      %get3A_200 = tpu.vector_load %arg7[%get3A_199] {strides = array<i32>} : memref<128xi32, #tpu.memory_space<vmem>>, vector<16xi32>,
      %mul3A_201 = arith.constant 4 : i32
      %mul3A_202 = vector.broadcast %mul3A_201 : i32 to vector<16xi32>
      %mul3A_203 = arith.muli %get3A_200, %mul3A_202 : vector<16xi32>
      %add3A_204 = arith.constant 0 : i32
      %add3A_205 = vector.broadcast %add3A_204 : i32 to vector<16xi32>
      %add3A_206 = arith.addi %mul3A_203, %add3A_205 : vector<16xi32>
      %gather3A_207 = tpu.vector_load_idx %arg11[%add3A_206] : memref<65536xf32, #tpu.memory_space<vmem>>[vector<16xi32>], vector<16xf32>,
      %mul3A_208 = arith.constant 4 : i32
      %mul3A_209 = vector.broadcast %mul3A_208 : i32 to vector<16xi32>
      %mul3A_210 = arith.muli %iota3A, %mul3A_209 : vector<16xi32>
      %add3A_211 = arith.constant 320 : i32
      %add3A_212 = vector.broadcast %add3A_211 : i32 to vector<16xi32>
      %add3A_213 = arith.addi %mul3A_210, %add3A_212 : vector<16xi32>
      tpu.vector_store_idx %arg12[%add3A_213], %gather3A_207 : memref<512xf32, #tpu.memory_space<vmem>>[vector<16xi32>], vector<16xf32>,
      %add3A_214 = arith.constant 1 : i32
      %add3A_215 = vector.broadcast %add3A_214 : i32 to vector<16xi32>
      %add3A_216 = arith.addi %mul3A_203, %add3A_215 : vector<16xi32>
      %gather3A_217 = tpu.vector_load_idx %arg11[%add3A_216] : memref<65536xf32, #tpu.memory_space<vmem>>[vector<16xi32>], vector<16xf32>,
      %mul3A_218 = arith.constant 4 : i32
      %mul3A_219 = vector.broadcast %mul3A_218 : i32 to vector<16xi32>
      %mul3A_220 = arith.muli %iota3A, %mul3A_219 : vector<16xi32>
      %add3A_221 = arith.constant 321 : i32
      %add3A_222 = vector.broadcast %add3A_221 : i32 to vector<16xi32>
      %add3A_223 = arith.addi %mul3A_220, %add3A_222 : vector<16xi32>
      tpu.vector_store_idx %arg12[%add3A_223], %gather3A_217 : memref<512xf32, #tpu.memory_space<vmem>>[vector<16xi32>], vector<16xf32>,
      %add3A_224 = arith.constant 2 : i32
      %add3A_225 = vector.broadcast %add3A_224 : i32 to vector<16xi32>
      %add3A_226 = arith.addi %mul3A_203, %add3A_225 : vector<16xi32>
      %gather3A_227 = tpu.vector_load_idx %arg11[%add3A_226] : memref<65536xf32, #tpu.memory_space<vmem>>[vector<16xi32>], vector<16xf32>,
      %mul3A_228 = arith.constant 4 : i32
      %mul3A_229 = vector.broadcast %mul3A_228 : i32 to vector<16xi32>
      %mul3A_230 = arith.muli %iota3A, %mul3A_229 : vector<16xi32>
      %add3A_231 = arith.constant 322 : i32
      %add3A_232 = vector.broadcast %add3A_231 : i32 to vector<16xi32>
      %add3A_233 = arith.addi %mul3A_230, %add3A_232 : vector<16xi32>
      tpu.vector_store_idx %arg12[%add3A_233], %gather3A_227 : memref<512xf32, #tpu.memory_space<vmem>>[vector<16xi32>], vector<16xf32>,
      %get3A_234 = arith.constant 96 : index
      %get3A_235 = tpu.vector_load %arg7[%get3A_234] {strides = array<i32>} : memref<128xi32, #tpu.memory_space<vmem>>, vector<16xi32>,
      %mul3A_236 = arith.constant 4 : i32
      %mul3A_237 = vector.broadcast %mul3A_236 : i32 to vector<16xi32>
      %mul3A_238 = arith.muli %get3A_235, %mul3A_237 : vector<16xi32>
      %add3A_239 = arith.constant 0 : i32
      %add3A_240 = vector.broadcast %add3A_239 : i32 to vector<16xi32>
      %add3A_241 = arith.addi %mul3A_238, %add3A_240 : vector<16xi32>
      %gather3A_242 = tpu.vector_load_idx %arg11[%add3A_241] : memref<65536xf32, #tpu.memory_space<vmem>>[vector<16xi32>], vector<16xf32>,
      %mul3A_243 = arith.constant 4 : i32
      %mul3A_244 = vector.broadcast %mul3A_243 : i32 to vector<16xi32>
      %mul3A_245 = arith.muli %iota3A, %mul3A_244 : vector<16xi32>
      %add3A_246 = arith.constant 384 : i32
      %add3A_247 = vector.broadcast %add3A_246 : i32 to vector<16xi32>
      %add3A_248 = arith.addi %mul3A_245, %add3A_247 : vector<16xi32>
      tpu.vector_store_idx %arg12[%add3A_248], %gather3A_242 : memref<512xf32, #tpu.memory_space<vmem>>[vector<16xi32>], vector<16xf32>,
      %add3A_249 = arith.constant 1 : i32
      %add3A_250 = vector.broadcast %add3A_249 : i32 to vector<16xi32>
      %add3A_251 = arith.addi %mul3A_238, %add3A_250 : vector<16xi32>
      %gather3A_252 = tpu.vector_load_idx %arg11[%add3A_251] : memref<65536xf32, #tpu.memory_space<vmem>>[vector<16xi32>], vector<16xf32>,
      %mul3A_253 = arith.constant 4 : i32
      %mul3A_254 = vector.broadcast %mul3A_253 : i32 to vector<16xi32>
      %mul3A_255 = arith.muli %iota3A, %mul3A_254 : vector<16xi32>
      %add3A_256 = arith.constant 385 : i32
      %add3A_257 = vector.broadcast %add3A_256 : i32 to vector<16xi32>
      %add3A_258 = arith.addi %mul3A_255, %add3A_257 : vector<16xi32>
      tpu.vector_store_idx %arg12[%add3A_258], %gather3A_252 : memref<512xf32, #tpu.memory_space<vmem>>[vector<16xi32>], vector<16xf32>,
      %add3A_259 = arith.constant 2 : i32
      %add3A_260 = vector.broadcast %add3A_259 : i32 to vector<16xi32>
      %add3A_261 = arith.addi %mul3A_238, %add3A_260 : vector<16xi32>
      %gather3A_262 = tpu.vector_load_idx %arg11[%add3A_261] : memref<65536xf32, #tpu.memory_space<vmem>>[vector<16xi32>], vector<16xf32>,
      %mul3A_263 = arith.constant 4 : i32
      %mul3A_264 = vector.broadcast %mul3A_263 : i32 to vector<16xi32>
      %mul3A_265 = arith.muli %iota3A, %mul3A_264 : vector<16xi32>
      %add3A_266 = arith.constant 386 : i32
      %add3A_267 = vector.broadcast %add3A_266 : i32 to vector<16xi32>
      %add3A_268 = arith.addi %mul3A_265, %add3A_267 : vector<16xi32>
      tpu.vector_store_idx %arg12[%add3A_268], %gather3A_262 : memref<512xf32, #tpu.memory_space<vmem>>[vector<16xi32>], vector<16xf32>,
      %get3A_269 = arith.constant 112 : index
      %get3A_270 = tpu.vector_load %arg7[%get3A_269] {strides = array<i32>} : memref<128xi32, #tpu.memory_space<vmem>>, vector<16xi32>,
      %mul3A_271 = arith.constant 4 : i32
      %mul3A_272 = vector.broadcast %mul3A_271 : i32 to vector<16xi32>
      %mul3A_273 = arith.muli %get3A_270, %mul3A_272 : vector<16xi32>
      %add3A_274 = arith.constant 0 : i32
      %add3A_275 = vector.broadcast %add3A_274 : i32 to vector<16xi32>
      %add3A_276 = arith.addi %mul3A_273, %add3A_275 : vector<16xi32>
      %gather3A_277 = tpu.vector_load_idx %arg11[%add3A_276] : memref<65536xf32, #tpu.memory_space<vmem>>[vector<16xi32>], vector<16xf32>,
      %mul3A_278 = arith.constant 4 : i32
      %mul3A_279 = vector.broadcast %mul3A_278 : i32 to vector<16xi32>
      %mul3A_280 = arith.muli %iota3A, %mul3A_279 : vector<16xi32>
      %add3A_281 = arith.constant 448 : i32
      %add3A_282 = vector.broadcast %add3A_281 : i32 to vector<16xi32>
      %add3A_283 = arith.addi %mul3A_280, %add3A_282 : vector<16xi32>
      tpu.vector_store_idx %arg12[%add3A_283], %gather3A_277 : memref<512xf32, #tpu.memory_space<vmem>>[vector<16xi32>], vector<16xf32>,
      %add3A_284 = arith.constant 1 : i32
      %add3A_285 = vector.broadcast %add3A_284 : i32 to vector<16xi32>
      %add3A_286 = arith.addi %mul3A_273, %add3A_285 : vector<16xi32>
      %gather3A_287 = tpu.vector_load_idx %arg11[%add3A_286] : memref<65536xf32, #tpu.memory_space<vmem>>[vector<16xi32>], vector<16xf32>,
      %mul3A_288 = arith.constant 4 : i32
      %mul3A_289 = vector.broadcast %mul3A_288 : i32 to vector<16xi32>
      %mul3A_290 = arith.muli %iota3A, %mul3A_289 : vector<16xi32>
      %add3A_291 = arith.constant 449 : i32
      %add3A_292 = vector.broadcast %add3A_291 : i32 to vector<16xi32>
      %add3A_293 = arith.addi %mul3A_290, %add3A_292 : vector<16xi32>
      tpu.vector_store_idx %arg12[%add3A_293], %gather3A_287 : memref<512xf32, #tpu.memory_space<vmem>>[vector<16xi32>], vector<16xf32>,
      %add3A_294 = arith.constant 2 : i32
      %add3A_295 = vector.broadcast %add3A_294 : i32 to vector<16xi32>
      %add3A_296 = arith.addi %mul3A_273, %add3A_295 : vector<16xi32>
      %gather3A_297 = tpu.vector_load_idx %arg11[%add3A_296] : memref<65536xf32, #tpu.memory_space<vmem>>[vector<16xi32>], vector<16xf32>,
      %mul3A_298 = arith.constant 4 : i32
      %mul3A_299 = vector.broadcast %mul3A_298 : i32 to vector<16xi32>
      %mul3A_300 = arith.muli %iota3A, %mul3A_299 : vector<16xi32>
      %add3A_301 = arith.constant 450 : i32
      %add3A_302 = vector.broadcast %add3A_301 : i32 to vector<16xi32>
      %add3A_303 = arith.addi %mul3A_300, %add3A_302 : vector<16xi32>
      tpu.vector_store_idx %arg12[%add3A_303], %gather3A_297 : memref<512xf32, #tpu.memory_space<vmem>>[vector<16xi32>], vector<16xf32>,
      %dma_wait3A = arith.constant 0 : i32
      %dma_wait3A_304 = arith.constant 0 : i32
      %dma_wait3A_305 = tpu.memref_slice %arg2[%dma_wait3A, %dma_wait3A_304] : memref<16384x128xf32, #tpu.memory_space<hbm>> -> memref<16384x128xf32, #tpu.memory_space<hbm>>
      tpu.wait_indirect_dma semaphore(%arg14 : memref<!tpu.dma_semaphore, #tpu.memory_space<semaphore_mem>>) src(%dma_wait3A_305 : memref<16384x128xf32, #tpu.memory_space<hbm>>) dst(%arg9 : memref<128x128xf32, #tpu.memory_space<vmem>>)
      "tpu.region"() ({
        %run_scoped3A = tpu.sem_alloc : memref<!tpu.dma_semaphore, #tpu.memory_space<semaphore_mem>>
        %dma_start3A_593 = arith.constant 0 : i32
        %dma_start3A_594 = tpu.memref_slice %arg5[%add3A_15, %dma_start3A_593] : memref<262144x128xf32, #tpu.memory_space<hbm>> -> memref<128x128xf32, #tpu.memory_space<hbm>>
        %dma_start3A_595 = arith.constant 0 : i32
        %dma_start3A_596 = tpu.memref_slice %arg5[%add3A_15, %dma_start3A_595] : memref<262144x128xf32, #tpu.memory_space<hbm>> -> memref<128x128xf32, #tpu.memory_space<hbm>>
        tpu.enqueue_dma source(%arg9 : memref<128x128xf32, #tpu.memory_space<vmem>>) target(%dma_start3A_596 : memref<128x128xf32, #tpu.memory_space<hbm>>) target_semaphore(%run_scoped3A : memref<!tpu.dma_semaphore, #tpu.memory_space<semaphore_mem>>)
        %dma_wait3A_597 = arith.constant 0 : i32
        %dma_wait3A_598 = tpu.memref_slice %arg5[%add3A_15, %dma_wait3A_597] : memref<262144x128xf32, #tpu.memory_space<hbm>> -> memref<128x128xf32, #tpu.memory_space<hbm>>
        %dma_wait3A_599 = arith.constant 0 : i32
        %dma_wait3A_600 = tpu.memref_slice %arg5[%add3A_15, %dma_wait3A_599] : memref<262144x128xf32, #tpu.memory_space<hbm>> -> memref<128x128xf32, #tpu.memory_space<hbm>>
        tpu.wait_dma2 semaphore(%run_scoped3A : memref<!tpu.dma_semaphore, #tpu.memory_space<semaphore_mem>>) src(%arg9 : memref<128x128xf32, #tpu.memory_space<vmem>>) dst(%dma_wait3A_600 : memref<128x128xf32, #tpu.memory_space<hbm>>)
        tpu.yield
      }) : () -> ()
      %mul3A_306 = arith.constant 4 : i32
      %mul3A_307 = arith.muli %add3A_15, %mul3A_306 : i32
      "tpu.region"() ({
        %run_scoped3A = tpu.sem_alloc : memref<!tpu.dma_semaphore, #tpu.memory_space<semaphore_mem>>
        %dma_start3A_593 = tpu.memref_slice %arg6[%mul3A_307] : memref<1048576xf32, #tpu.memory_space<hbm>> -> memref<512xf32, #tpu.memory_space<hbm>>
        %dma_start3A_594 = tpu.memref_slice %arg6[%mul3A_307] : memref<1048576xf32, #tpu.memory_space<hbm>> -> memref<512xf32, #tpu.memory_space<hbm>>
        tpu.enqueue_dma source(%arg12 : memref<512xf32, #tpu.memory_space<vmem>>) target(%dma_start3A_594 : memref<512xf32, #tpu.memory_space<hbm>>) target_semaphore(%run_scoped3A : memref<!tpu.dma_semaphore, #tpu.memory_space<semaphore_mem>>)
        %dma_wait3A_595 = tpu.memref_slice %arg6[%mul3A_307] : memref<1048576xf32, #tpu.memory_space<hbm>> -> memref<512xf32, #tpu.memory_space<hbm>>
        %dma_wait3A_596 = tpu.memref_slice %arg6[%mul3A_307] : memref<1048576xf32, #tpu.memory_space<hbm>> -> memref<512xf32, #tpu.memory_space<hbm>>
        tpu.wait_dma2 semaphore(%run_scoped3A : memref<!tpu.dma_semaphore, #tpu.memory_space<semaphore_mem>>) src(%arg12 : memref<512xf32, #tpu.memory_space<vmem>>) dst(%dma_wait3A_596 : memref<512xf32, #tpu.memory_space<hbm>>)
        tpu.yield
      }) : () -> ()
      %get3A_308 = arith.constant 0 : index
      %get3A_309 = tpu.vector_load %arg8[%get3A_308] {strides = array<i32>} : memref<128xi32, #tpu.memory_space<vmem>>, vector<16xi32>,
      %mul3A_310 = arith.constant 4 : i32
      %mul3A_311 = vector.broadcast %mul3A_310 : i32 to vector<16xi32>
      %mul3A_312 = arith.muli %get3A_309, %mul3A_311 : vector<16xi32>
      %add3A_313 = arith.constant 0 : i32
      %add3A_314 = vector.broadcast %add3A_313 : i32 to vector<16xi32>
      %add3A_315 = arith.addi %mul3A_312, %add3A_314 : vector<16xi32>
      %gather3A_316 = tpu.vector_load_idx %arg11[%add3A_315] : memref<65536xf32, #tpu.memory_space<vmem>>[vector<16xi32>], vector<16xf32>,
      %mul3A_317 = arith.constant 4 : i32
      %mul3A_318 = vector.broadcast %mul3A_317 : i32 to vector<16xi32>
      %mul3A_319 = arith.muli %iota3A, %mul3A_318 : vector<16xi32>
      %add3A_320 = arith.constant 0 : i32
      %add3A_321 = vector.broadcast %add3A_320 : i32 to vector<16xi32>
      %add3A_322 = arith.addi %mul3A_319, %add3A_321 : vector<16xi32>
      tpu.vector_store_idx %arg13[%add3A_322], %gather3A_316 : memref<512xf32, #tpu.memory_space<vmem>>[vector<16xi32>], vector<16xf32>,
      %add3A_323 = arith.constant 1 : i32
      %add3A_324 = vector.broadcast %add3A_323 : i32 to vector<16xi32>
      %add3A_325 = arith.addi %mul3A_312, %add3A_324 : vector<16xi32>
      %gather3A_326 = tpu.vector_load_idx %arg11[%add3A_325] : memref<65536xf32, #tpu.memory_space<vmem>>[vector<16xi32>], vector<16xf32>,
      %mul3A_327 = arith.constant 4 : i32
      %mul3A_328 = vector.broadcast %mul3A_327 : i32 to vector<16xi32>
      %mul3A_329 = arith.muli %iota3A, %mul3A_328 : vector<16xi32>
      %add3A_330 = arith.constant 1 : i32
      %add3A_331 = vector.broadcast %add3A_330 : i32 to vector<16xi32>
      %add3A_332 = arith.addi %mul3A_329, %add3A_331 : vector<16xi32>
      tpu.vector_store_idx %arg13[%add3A_332], %gather3A_326 : memref<512xf32, #tpu.memory_space<vmem>>[vector<16xi32>], vector<16xf32>,
      %add3A_333 = arith.constant 2 : i32
      %add3A_334 = vector.broadcast %add3A_333 : i32 to vector<16xi32>
      %add3A_335 = arith.addi %mul3A_312, %add3A_334 : vector<16xi32>
      %gather3A_336 = tpu.vector_load_idx %arg11[%add3A_335] : memref<65536xf32, #tpu.memory_space<vmem>>[vector<16xi32>], vector<16xf32>,
      %mul3A_337 = arith.constant 4 : i32
      %mul3A_338 = vector.broadcast %mul3A_337 : i32 to vector<16xi32>
      %mul3A_339 = arith.muli %iota3A, %mul3A_338 : vector<16xi32>
      %add3A_340 = arith.constant 2 : i32
      %add3A_341 = vector.broadcast %add3A_340 : i32 to vector<16xi32>
      %add3A_342 = arith.addi %mul3A_339, %add3A_341 : vector<16xi32>
      tpu.vector_store_idx %arg13[%add3A_342], %gather3A_336 : memref<512xf32, #tpu.memory_space<vmem>>[vector<16xi32>], vector<16xf32>,
      %get3A_343 = arith.constant 16 : index
      %get3A_344 = tpu.vector_load %arg8[%get3A_343] {strides = array<i32>} : memref<128xi32, #tpu.memory_space<vmem>>, vector<16xi32>,
      %mul3A_345 = arith.constant 4 : i32
      %mul3A_346 = vector.broadcast %mul3A_345 : i32 to vector<16xi32>
      %mul3A_347 = arith.muli %get3A_344, %mul3A_346 : vector<16xi32>
      %add3A_348 = arith.constant 0 : i32
      %add3A_349 = vector.broadcast %add3A_348 : i32 to vector<16xi32>
      %add3A_350 = arith.addi %mul3A_347, %add3A_349 : vector<16xi32>
      %gather3A_351 = tpu.vector_load_idx %arg11[%add3A_350] : memref<65536xf32, #tpu.memory_space<vmem>>[vector<16xi32>], vector<16xf32>,
      %mul3A_352 = arith.constant 4 : i32
      %mul3A_353 = vector.broadcast %mul3A_352 : i32 to vector<16xi32>
      %mul3A_354 = arith.muli %iota3A, %mul3A_353 : vector<16xi32>
      %add3A_355 = arith.constant 64 : i32
      %add3A_356 = vector.broadcast %add3A_355 : i32 to vector<16xi32>
      %add3A_357 = arith.addi %mul3A_354, %add3A_356 : vector<16xi32>
      tpu.vector_store_idx %arg13[%add3A_357], %gather3A_351 : memref<512xf32, #tpu.memory_space<vmem>>[vector<16xi32>], vector<16xf32>,
      %add3A_358 = arith.constant 1 : i32
      %add3A_359 = vector.broadcast %add3A_358 : i32 to vector<16xi32>
      %add3A_360 = arith.addi %mul3A_347, %add3A_359 : vector<16xi32>
      %gather3A_361 = tpu.vector_load_idx %arg11[%add3A_360] : memref<65536xf32, #tpu.memory_space<vmem>>[vector<16xi32>], vector<16xf32>,
      %mul3A_362 = arith.constant 4 : i32
      %mul3A_363 = vector.broadcast %mul3A_362 : i32 to vector<16xi32>
      %mul3A_364 = arith.muli %iota3A, %mul3A_363 : vector<16xi32>
      %add3A_365 = arith.constant 65 : i32
      %add3A_366 = vector.broadcast %add3A_365 : i32 to vector<16xi32>
      %add3A_367 = arith.addi %mul3A_364, %add3A_366 : vector<16xi32>
      tpu.vector_store_idx %arg13[%add3A_367], %gather3A_361 : memref<512xf32, #tpu.memory_space<vmem>>[vector<16xi32>], vector<16xf32>,
      %add3A_368 = arith.constant 2 : i32
      %add3A_369 = vector.broadcast %add3A_368 : i32 to vector<16xi32>
      %add3A_370 = arith.addi %mul3A_347, %add3A_369 : vector<16xi32>
      %gather3A_371 = tpu.vector_load_idx %arg11[%add3A_370] : memref<65536xf32, #tpu.memory_space<vmem>>[vector<16xi32>], vector<16xf32>,
      %mul3A_372 = arith.constant 4 : i32
      %mul3A_373 = vector.broadcast %mul3A_372 : i32 to vector<16xi32>
      %mul3A_374 = arith.muli %iota3A, %mul3A_373 : vector<16xi32>
      %add3A_375 = arith.constant 66 : i32
      %add3A_376 = vector.broadcast %add3A_375 : i32 to vector<16xi32>
      %add3A_377 = arith.addi %mul3A_374, %add3A_376 : vector<16xi32>
      tpu.vector_store_idx %arg13[%add3A_377], %gather3A_371 : memref<512xf32, #tpu.memory_space<vmem>>[vector<16xi32>], vector<16xf32>,
      %get3A_378 = arith.constant 32 : index
      %get3A_379 = tpu.vector_load %arg8[%get3A_378] {strides = array<i32>} : memref<128xi32, #tpu.memory_space<vmem>>, vector<16xi32>,
      %mul3A_380 = arith.constant 4 : i32
      %mul3A_381 = vector.broadcast %mul3A_380 : i32 to vector<16xi32>
      %mul3A_382 = arith.muli %get3A_379, %mul3A_381 : vector<16xi32>
      %add3A_383 = arith.constant 0 : i32
      %add3A_384 = vector.broadcast %add3A_383 : i32 to vector<16xi32>
      %add3A_385 = arith.addi %mul3A_382, %add3A_384 : vector<16xi32>
      %gather3A_386 = tpu.vector_load_idx %arg11[%add3A_385] : memref<65536xf32, #tpu.memory_space<vmem>>[vector<16xi32>], vector<16xf32>,
      %mul3A_387 = arith.constant 4 : i32
      %mul3A_388 = vector.broadcast %mul3A_387 : i32 to vector<16xi32>
      %mul3A_389 = arith.muli %iota3A, %mul3A_388 : vector<16xi32>
      %add3A_390 = arith.constant 128 : i32
      %add3A_391 = vector.broadcast %add3A_390 : i32 to vector<16xi32>
      %add3A_392 = arith.addi %mul3A_389, %add3A_391 : vector<16xi32>
      tpu.vector_store_idx %arg13[%add3A_392], %gather3A_386 : memref<512xf32, #tpu.memory_space<vmem>>[vector<16xi32>], vector<16xf32>,
      %add3A_393 = arith.constant 1 : i32
      %add3A_394 = vector.broadcast %add3A_393 : i32 to vector<16xi32>
      %add3A_395 = arith.addi %mul3A_382, %add3A_394 : vector<16xi32>
      %gather3A_396 = tpu.vector_load_idx %arg11[%add3A_395] : memref<65536xf32, #tpu.memory_space<vmem>>[vector<16xi32>], vector<16xf32>,
      %mul3A_397 = arith.constant 4 : i32
      %mul3A_398 = vector.broadcast %mul3A_397 : i32 to vector<16xi32>
      %mul3A_399 = arith.muli %iota3A, %mul3A_398 : vector<16xi32>
      %add3A_400 = arith.constant 129 : i32
      %add3A_401 = vector.broadcast %add3A_400 : i32 to vector<16xi32>
      %add3A_402 = arith.addi %mul3A_399, %add3A_401 : vector<16xi32>
      tpu.vector_store_idx %arg13[%add3A_402], %gather3A_396 : memref<512xf32, #tpu.memory_space<vmem>>[vector<16xi32>], vector<16xf32>,
      %add3A_403 = arith.constant 2 : i32
      %add3A_404 = vector.broadcast %add3A_403 : i32 to vector<16xi32>
      %add3A_405 = arith.addi %mul3A_382, %add3A_404 : vector<16xi32>
      %gather3A_406 = tpu.vector_load_idx %arg11[%add3A_405] : memref<65536xf32, #tpu.memory_space<vmem>>[vector<16xi32>], vector<16xf32>,
      %mul3A_407 = arith.constant 4 : i32
      %mul3A_408 = vector.broadcast %mul3A_407 : i32 to vector<16xi32>
      %mul3A_409 = arith.muli %iota3A, %mul3A_408 : vector<16xi32>
      %add3A_410 = arith.constant 130 : i32
      %add3A_411 = vector.broadcast %add3A_410 : i32 to vector<16xi32>
      %add3A_412 = arith.addi %mul3A_409, %add3A_411 : vector<16xi32>
      tpu.vector_store_idx %arg13[%add3A_412], %gather3A_406 : memref<512xf32, #tpu.memory_space<vmem>>[vector<16xi32>], vector<16xf32>,
      %get3A_413 = arith.constant 48 : index
      %get3A_414 = tpu.vector_load %arg8[%get3A_413] {strides = array<i32>} : memref<128xi32, #tpu.memory_space<vmem>>, vector<16xi32>,
      %mul3A_415 = arith.constant 4 : i32
      %mul3A_416 = vector.broadcast %mul3A_415 : i32 to vector<16xi32>
      %mul3A_417 = arith.muli %get3A_414, %mul3A_416 : vector<16xi32>
      %add3A_418 = arith.constant 0 : i32
      %add3A_419 = vector.broadcast %add3A_418 : i32 to vector<16xi32>
      %add3A_420 = arith.addi %mul3A_417, %add3A_419 : vector<16xi32>
      %gather3A_421 = tpu.vector_load_idx %arg11[%add3A_420] : memref<65536xf32, #tpu.memory_space<vmem>>[vector<16xi32>], vector<16xf32>,
      %mul3A_422 = arith.constant 4 : i32
      %mul3A_423 = vector.broadcast %mul3A_422 : i32 to vector<16xi32>
      %mul3A_424 = arith.muli %iota3A, %mul3A_423 : vector<16xi32>
      %add3A_425 = arith.constant 192 : i32
      %add3A_426 = vector.broadcast %add3A_425 : i32 to vector<16xi32>
      %add3A_427 = arith.addi %mul3A_424, %add3A_426 : vector<16xi32>
      tpu.vector_store_idx %arg13[%add3A_427], %gather3A_421 : memref<512xf32, #tpu.memory_space<vmem>>[vector<16xi32>], vector<16xf32>,
      %add3A_428 = arith.constant 1 : i32
      %add3A_429 = vector.broadcast %add3A_428 : i32 to vector<16xi32>
      %add3A_430 = arith.addi %mul3A_417, %add3A_429 : vector<16xi32>
      %gather3A_431 = tpu.vector_load_idx %arg11[%add3A_430] : memref<65536xf32, #tpu.memory_space<vmem>>[vector<16xi32>], vector<16xf32>,
      %mul3A_432 = arith.constant 4 : i32
      %mul3A_433 = vector.broadcast %mul3A_432 : i32 to vector<16xi32>
      %mul3A_434 = arith.muli %iota3A, %mul3A_433 : vector<16xi32>
      %add3A_435 = arith.constant 193 : i32
      %add3A_436 = vector.broadcast %add3A_435 : i32 to vector<16xi32>
      %add3A_437 = arith.addi %mul3A_434, %add3A_436 : vector<16xi32>
      tpu.vector_store_idx %arg13[%add3A_437], %gather3A_431 : memref<512xf32, #tpu.memory_space<vmem>>[vector<16xi32>], vector<16xf32>,
      %add3A_438 = arith.constant 2 : i32
      %add3A_439 = vector.broadcast %add3A_438 : i32 to vector<16xi32>
      %add3A_440 = arith.addi %mul3A_417, %add3A_439 : vector<16xi32>
      %gather3A_441 = tpu.vector_load_idx %arg11[%add3A_440] : memref<65536xf32, #tpu.memory_space<vmem>>[vector<16xi32>], vector<16xf32>,
      %mul3A_442 = arith.constant 4 : i32
      %mul3A_443 = vector.broadcast %mul3A_442 : i32 to vector<16xi32>
      %mul3A_444 = arith.muli %iota3A, %mul3A_443 : vector<16xi32>
      %add3A_445 = arith.constant 194 : i32
      %add3A_446 = vector.broadcast %add3A_445 : i32 to vector<16xi32>
      %add3A_447 = arith.addi %mul3A_444, %add3A_446 : vector<16xi32>
      tpu.vector_store_idx %arg13[%add3A_447], %gather3A_441 : memref<512xf32, #tpu.memory_space<vmem>>[vector<16xi32>], vector<16xf32>,
      %get3A_448 = arith.constant 64 : index
      %get3A_449 = tpu.vector_load %arg8[%get3A_448] {strides = array<i32>} : memref<128xi32, #tpu.memory_space<vmem>>, vector<16xi32>,
      %mul3A_450 = arith.constant 4 : i32
      %mul3A_451 = vector.broadcast %mul3A_450 : i32 to vector<16xi32>
      %mul3A_452 = arith.muli %get3A_449, %mul3A_451 : vector<16xi32>
      %add3A_453 = arith.constant 0 : i32
      %add3A_454 = vector.broadcast %add3A_453 : i32 to vector<16xi32>
      %add3A_455 = arith.addi %mul3A_452, %add3A_454 : vector<16xi32>
      %gather3A_456 = tpu.vector_load_idx %arg11[%add3A_455] : memref<65536xf32, #tpu.memory_space<vmem>>[vector<16xi32>], vector<16xf32>,
      %mul3A_457 = arith.constant 4 : i32
      %mul3A_458 = vector.broadcast %mul3A_457 : i32 to vector<16xi32>
      %mul3A_459 = arith.muli %iota3A, %mul3A_458 : vector<16xi32>
      %add3A_460 = arith.constant 256 : i32
      %add3A_461 = vector.broadcast %add3A_460 : i32 to vector<16xi32>
      %add3A_462 = arith.addi %mul3A_459, %add3A_461 : vector<16xi32>
      tpu.vector_store_idx %arg13[%add3A_462], %gather3A_456 : memref<512xf32, #tpu.memory_space<vmem>>[vector<16xi32>], vector<16xf32>,
      %add3A_463 = arith.constant 1 : i32
      %add3A_464 = vector.broadcast %add3A_463 : i32 to vector<16xi32>
      %add3A_465 = arith.addi %mul3A_452, %add3A_464 : vector<16xi32>
      %gather3A_466 = tpu.vector_load_idx %arg11[%add3A_465] : memref<65536xf32, #tpu.memory_space<vmem>>[vector<16xi32>], vector<16xf32>,
      %mul3A_467 = arith.constant 4 : i32
      %mul3A_468 = vector.broadcast %mul3A_467 : i32 to vector<16xi32>
      %mul3A_469 = arith.muli %iota3A, %mul3A_468 : vector<16xi32>
      %add3A_470 = arith.constant 257 : i32
      %add3A_471 = vector.broadcast %add3A_470 : i32 to vector<16xi32>
      %add3A_472 = arith.addi %mul3A_469, %add3A_471 : vector<16xi32>
      tpu.vector_store_idx %arg13[%add3A_472], %gather3A_466 : memref<512xf32, #tpu.memory_space<vmem>>[vector<16xi32>], vector<16xf32>,
      %add3A_473 = arith.constant 2 : i32
      %add3A_474 = vector.broadcast %add3A_473 : i32 to vector<16xi32>
      %add3A_475 = arith.addi %mul3A_452, %add3A_474 : vector<16xi32>
      %gather3A_476 = tpu.vector_load_idx %arg11[%add3A_475] : memref<65536xf32, #tpu.memory_space<vmem>>[vector<16xi32>], vector<16xf32>,
      %mul3A_477 = arith.constant 4 : i32
      %mul3A_478 = vector.broadcast %mul3A_477 : i32 to vector<16xi32>
      %mul3A_479 = arith.muli %iota3A, %mul3A_478 : vector<16xi32>
      %add3A_480 = arith.constant 258 : i32
      %add3A_481 = vector.broadcast %add3A_480 : i32 to vector<16xi32>
      %add3A_482 = arith.addi %mul3A_479, %add3A_481 : vector<16xi32>
      tpu.vector_store_idx %arg13[%add3A_482], %gather3A_476 : memref<512xf32, #tpu.memory_space<vmem>>[vector<16xi32>], vector<16xf32>,
      %get3A_483 = arith.constant 80 : index
      %get3A_484 = tpu.vector_load %arg8[%get3A_483] {strides = array<i32>} : memref<128xi32, #tpu.memory_space<vmem>>, vector<16xi32>,
      %mul3A_485 = arith.constant 4 : i32
      %mul3A_486 = vector.broadcast %mul3A_485 : i32 to vector<16xi32>
      %mul3A_487 = arith.muli %get3A_484, %mul3A_486 : vector<16xi32>
      %add3A_488 = arith.constant 0 : i32
      %add3A_489 = vector.broadcast %add3A_488 : i32 to vector<16xi32>
      %add3A_490 = arith.addi %mul3A_487, %add3A_489 : vector<16xi32>
      %gather3A_491 = tpu.vector_load_idx %arg11[%add3A_490] : memref<65536xf32, #tpu.memory_space<vmem>>[vector<16xi32>], vector<16xf32>,
      %mul3A_492 = arith.constant 4 : i32
      %mul3A_493 = vector.broadcast %mul3A_492 : i32 to vector<16xi32>
      %mul3A_494 = arith.muli %iota3A, %mul3A_493 : vector<16xi32>
      %add3A_495 = arith.constant 320 : i32
      %add3A_496 = vector.broadcast %add3A_495 : i32 to vector<16xi32>
      %add3A_497 = arith.addi %mul3A_494, %add3A_496 : vector<16xi32>
      tpu.vector_store_idx %arg13[%add3A_497], %gather3A_491 : memref<512xf32, #tpu.memory_space<vmem>>[vector<16xi32>], vector<16xf32>,
      %add3A_498 = arith.constant 1 : i32
      %add3A_499 = vector.broadcast %add3A_498 : i32 to vector<16xi32>
      %add3A_500 = arith.addi %mul3A_487, %add3A_499 : vector<16xi32>
      %gather3A_501 = tpu.vector_load_idx %arg11[%add3A_500] : memref<65536xf32, #tpu.memory_space<vmem>>[vector<16xi32>], vector<16xf32>,
      %mul3A_502 = arith.constant 4 : i32
      %mul3A_503 = vector.broadcast %mul3A_502 : i32 to vector<16xi32>
      %mul3A_504 = arith.muli %iota3A, %mul3A_503 : vector<16xi32>
      %add3A_505 = arith.constant 321 : i32
      %add3A_506 = vector.broadcast %add3A_505 : i32 to vector<16xi32>
      %add3A_507 = arith.addi %mul3A_504, %add3A_506 : vector<16xi32>
      tpu.vector_store_idx %arg13[%add3A_507], %gather3A_501 : memref<512xf32, #tpu.memory_space<vmem>>[vector<16xi32>], vector<16xf32>,
      %add3A_508 = arith.constant 2 : i32
      %add3A_509 = vector.broadcast %add3A_508 : i32 to vector<16xi32>
      %add3A_510 = arith.addi %mul3A_487, %add3A_509 : vector<16xi32>
      %gather3A_511 = tpu.vector_load_idx %arg11[%add3A_510] : memref<65536xf32, #tpu.memory_space<vmem>>[vector<16xi32>], vector<16xf32>,
      %mul3A_512 = arith.constant 4 : i32
      %mul3A_513 = vector.broadcast %mul3A_512 : i32 to vector<16xi32>
      %mul3A_514 = arith.muli %iota3A, %mul3A_513 : vector<16xi32>
      %add3A_515 = arith.constant 322 : i32
      %add3A_516 = vector.broadcast %add3A_515 : i32 to vector<16xi32>
      %add3A_517 = arith.addi %mul3A_514, %add3A_516 : vector<16xi32>
      tpu.vector_store_idx %arg13[%add3A_517], %gather3A_511 : memref<512xf32, #tpu.memory_space<vmem>>[vector<16xi32>], vector<16xf32>,
      %get3A_518 = arith.constant 96 : index
      %get3A_519 = tpu.vector_load %arg8[%get3A_518] {strides = array<i32>} : memref<128xi32, #tpu.memory_space<vmem>>, vector<16xi32>,
      %mul3A_520 = arith.constant 4 : i32
      %mul3A_521 = vector.broadcast %mul3A_520 : i32 to vector<16xi32>
      %mul3A_522 = arith.muli %get3A_519, %mul3A_521 : vector<16xi32>
      %add3A_523 = arith.constant 0 : i32
      %add3A_524 = vector.broadcast %add3A_523 : i32 to vector<16xi32>
      %add3A_525 = arith.addi %mul3A_522, %add3A_524 : vector<16xi32>
      %gather3A_526 = tpu.vector_load_idx %arg11[%add3A_525] : memref<65536xf32, #tpu.memory_space<vmem>>[vector<16xi32>], vector<16xf32>,
      %mul3A_527 = arith.constant 4 : i32
      %mul3A_528 = vector.broadcast %mul3A_527 : i32 to vector<16xi32>
      %mul3A_529 = arith.muli %iota3A, %mul3A_528 : vector<16xi32>
      %add3A_530 = arith.constant 384 : i32
      %add3A_531 = vector.broadcast %add3A_530 : i32 to vector<16xi32>
      %add3A_532 = arith.addi %mul3A_529, %add3A_531 : vector<16xi32>
      tpu.vector_store_idx %arg13[%add3A_532], %gather3A_526 : memref<512xf32, #tpu.memory_space<vmem>>[vector<16xi32>], vector<16xf32>,
      %add3A_533 = arith.constant 1 : i32
      %add3A_534 = vector.broadcast %add3A_533 : i32 to vector<16xi32>
      %add3A_535 = arith.addi %mul3A_522, %add3A_534 : vector<16xi32>
      %gather3A_536 = tpu.vector_load_idx %arg11[%add3A_535] : memref<65536xf32, #tpu.memory_space<vmem>>[vector<16xi32>], vector<16xf32>,
      %mul3A_537 = arith.constant 4 : i32
      %mul3A_538 = vector.broadcast %mul3A_537 : i32 to vector<16xi32>
      %mul3A_539 = arith.muli %iota3A, %mul3A_538 : vector<16xi32>
      %add3A_540 = arith.constant 385 : i32
      %add3A_541 = vector.broadcast %add3A_540 : i32 to vector<16xi32>
      %add3A_542 = arith.addi %mul3A_539, %add3A_541 : vector<16xi32>
      tpu.vector_store_idx %arg13[%add3A_542], %gather3A_536 : memref<512xf32, #tpu.memory_space<vmem>>[vector<16xi32>], vector<16xf32>,
      %add3A_543 = arith.constant 2 : i32
      %add3A_544 = vector.broadcast %add3A_543 : i32 to vector<16xi32>
      %add3A_545 = arith.addi %mul3A_522, %add3A_544 : vector<16xi32>
      %gather3A_546 = tpu.vector_load_idx %arg11[%add3A_545] : memref<65536xf32, #tpu.memory_space<vmem>>[vector<16xi32>], vector<16xf32>,
      %mul3A_547 = arith.constant 4 : i32
      %mul3A_548 = vector.broadcast %mul3A_547 : i32 to vector<16xi32>
      %mul3A_549 = arith.muli %iota3A, %mul3A_548 : vector<16xi32>
      %add3A_550 = arith.constant 386 : i32
      %add3A_551 = vector.broadcast %add3A_550 : i32 to vector<16xi32>
      %add3A_552 = arith.addi %mul3A_549, %add3A_551 : vector<16xi32>
      tpu.vector_store_idx %arg13[%add3A_552], %gather3A_546 : memref<512xf32, #tpu.memory_space<vmem>>[vector<16xi32>], vector<16xf32>,
      %get3A_553 = arith.constant 112 : index
      %get3A_554 = tpu.vector_load %arg8[%get3A_553] {strides = array<i32>} : memref<128xi32, #tpu.memory_space<vmem>>, vector<16xi32>,
      %mul3A_555 = arith.constant 4 : i32
      %mul3A_556 = vector.broadcast %mul3A_555 : i32 to vector<16xi32>
      %mul3A_557 = arith.muli %get3A_554, %mul3A_556 : vector<16xi32>
      %add3A_558 = arith.constant 0 : i32
      %add3A_559 = vector.broadcast %add3A_558 : i32 to vector<16xi32>
      %add3A_560 = arith.addi %mul3A_557, %add3A_559 : vector<16xi32>
      %gather3A_561 = tpu.vector_load_idx %arg11[%add3A_560] : memref<65536xf32, #tpu.memory_space<vmem>>[vector<16xi32>], vector<16xf32>,
      %mul3A_562 = arith.constant 4 : i32
      %mul3A_563 = vector.broadcast %mul3A_562 : i32 to vector<16xi32>
      %mul3A_564 = arith.muli %iota3A, %mul3A_563 : vector<16xi32>
      %add3A_565 = arith.constant 448 : i32
      %add3A_566 = vector.broadcast %add3A_565 : i32 to vector<16xi32>
      %add3A_567 = arith.addi %mul3A_564, %add3A_566 : vector<16xi32>
      tpu.vector_store_idx %arg13[%add3A_567], %gather3A_561 : memref<512xf32, #tpu.memory_space<vmem>>[vector<16xi32>], vector<16xf32>,
      %add3A_568 = arith.constant 1 : i32
      %add3A_569 = vector.broadcast %add3A_568 : i32 to vector<16xi32>
      %add3A_570 = arith.addi %mul3A_557, %add3A_569 : vector<16xi32>
      %gather3A_571 = tpu.vector_load_idx %arg11[%add3A_570] : memref<65536xf32, #tpu.memory_space<vmem>>[vector<16xi32>], vector<16xf32>,
      %mul3A_572 = arith.constant 4 : i32
      %mul3A_573 = vector.broadcast %mul3A_572 : i32 to vector<16xi32>
      %mul3A_574 = arith.muli %iota3A, %mul3A_573 : vector<16xi32>
      %add3A_575 = arith.constant 449 : i32
      %add3A_576 = vector.broadcast %add3A_575 : i32 to vector<16xi32>
      %add3A_577 = arith.addi %mul3A_574, %add3A_576 : vector<16xi32>
      tpu.vector_store_idx %arg13[%add3A_577], %gather3A_571 : memref<512xf32, #tpu.memory_space<vmem>>[vector<16xi32>], vector<16xf32>,
      %add3A_578 = arith.constant 2 : i32
      %add3A_579 = vector.broadcast %add3A_578 : i32 to vector<16xi32>
      %add3A_580 = arith.addi %mul3A_557, %add3A_579 : vector<16xi32>
      %gather3A_581 = tpu.vector_load_idx %arg11[%add3A_580] : memref<65536xf32, #tpu.memory_space<vmem>>[vector<16xi32>], vector<16xf32>,
      %mul3A_582 = arith.constant 4 : i32
      %mul3A_583 = vector.broadcast %mul3A_582 : i32 to vector<16xi32>
      %mul3A_584 = arith.muli %iota3A, %mul3A_583 : vector<16xi32>
      %add3A_585 = arith.constant 450 : i32
      %add3A_586 = vector.broadcast %add3A_585 : i32 to vector<16xi32>
      %add3A_587 = arith.addi %mul3A_584, %add3A_586 : vector<16xi32>
      tpu.vector_store_idx %arg13[%add3A_587], %gather3A_581 : memref<512xf32, #tpu.memory_space<vmem>>[vector<16xi32>], vector<16xf32>,
      %dma_wait3A_588 = arith.constant 0 : i32
      %dma_wait3A_589 = arith.constant 0 : i32
      %dma_wait3A_590 = tpu.memref_slice %arg2[%dma_wait3A_588, %dma_wait3A_589] : memref<16384x128xf32, #tpu.memory_space<hbm>> -> memref<16384x128xf32, #tpu.memory_space<hbm>>
      tpu.wait_indirect_dma semaphore(%arg15 : memref<!tpu.dma_semaphore, #tpu.memory_space<semaphore_mem>>) src(%dma_wait3A_590 : memref<16384x128xf32, #tpu.memory_space<hbm>>) dst(%arg10 : memref<128x128xf32, #tpu.memory_space<vmem>>)
      "tpu.region"() ({
        %run_scoped3A = tpu.sem_alloc : memref<!tpu.dma_semaphore, #tpu.memory_space<semaphore_mem>>
        %dma_start3A_593 = arith.constant 0 : i32
        %dma_start3A_594 = tpu.memref_slice %arg5[%add3A_20, %dma_start3A_593] : memref<262144x128xf32, #tpu.memory_space<hbm>> -> memref<128x128xf32, #tpu.memory_space<hbm>>
        %dma_start3A_595 = arith.constant 0 : i32
        %dma_start3A_596 = tpu.memref_slice %arg5[%add3A_20, %dma_start3A_595] : memref<262144x128xf32, #tpu.memory_space<hbm>> -> memref<128x128xf32, #tpu.memory_space<hbm>>
        tpu.enqueue_dma source(%arg10 : memref<128x128xf32, #tpu.memory_space<vmem>>) target(%dma_start3A_596 : memref<128x128xf32, #tpu.memory_space<hbm>>) target_semaphore(%run_scoped3A : memref<!tpu.dma_semaphore, #tpu.memory_space<semaphore_mem>>)
        %dma_wait3A_597 = arith.constant 0 : i32
        %dma_wait3A_598 = tpu.memref_slice %arg5[%add3A_20, %dma_wait3A_597] : memref<262144x128xf32, #tpu.memory_space<hbm>> -> memref<128x128xf32, #tpu.memory_space<hbm>>
        %dma_wait3A_599 = arith.constant 0 : i32
        %dma_wait3A_600 = tpu.memref_slice %arg5[%add3A_20, %dma_wait3A_599] : memref<262144x128xf32, #tpu.memory_space<hbm>> -> memref<128x128xf32, #tpu.memory_space<hbm>>
        tpu.wait_dma2 semaphore(%run_scoped3A : memref<!tpu.dma_semaphore, #tpu.memory_space<semaphore_mem>>) src(%arg10 : memref<128x128xf32, #tpu.memory_space<vmem>>) dst(%dma_wait3A_600 : memref<128x128xf32, #tpu.memory_space<hbm>>)
        tpu.yield
      }) : () -> ()
      %mul3A_591 = arith.constant 4 : i32
      %mul3A_592 = arith.muli %add3A_20, %mul3A_591 : i32
      "tpu.region"() ({
        %run_scoped3A = tpu.sem_alloc : memref<!tpu.dma_semaphore, #tpu.memory_space<semaphore_mem>>
        %dma_start3A_593 = tpu.memref_slice %arg6[%mul3A_592] : memref<1048576xf32, #tpu.memory_space<hbm>> -> memref<512xf32, #tpu.memory_space<hbm>>
        %dma_start3A_594 = tpu.memref_slice %arg6[%mul3A_592] : memref<1048576xf32, #tpu.memory_space<hbm>> -> memref<512xf32, #tpu.memory_space<hbm>>
        tpu.enqueue_dma source(%arg13 : memref<512xf32, #tpu.memory_space<vmem>>) target(%dma_start3A_594 : memref<512xf32, #tpu.memory_space<hbm>>) target_semaphore(%run_scoped3A : memref<!tpu.dma_semaphore, #tpu.memory_space<semaphore_mem>>)
        %dma_wait3A_595 = tpu.memref_slice %arg6[%mul3A_592] : memref<1048576xf32, #tpu.memory_space<hbm>> -> memref<512xf32, #tpu.memory_space<hbm>>
        %dma_wait3A_596 = tpu.memref_slice %arg6[%mul3A_592] : memref<1048576xf32, #tpu.memory_space<hbm>> -> memref<512xf32, #tpu.memory_space<hbm>>
        tpu.wait_dma2 semaphore(%run_scoped3A : memref<!tpu.dma_semaphore, #tpu.memory_space<semaphore_mem>>) src(%arg13 : memref<512xf32, #tpu.memory_space<vmem>>) dst(%dma_wait3A_596 : memref<512xf32, #tpu.memory_space<hbm>>)
        tpu.yield
      }) : () -> ()
    }
    %scan3A_5 = arith.constant 32 : i32
    return
  }
}

module attributes {stable_mosaic.version = 14 : i64} {
  func.func @_stage1_body(%arg0: i32, %arg1: i32, %arg2: memref<1x512x3xf32, #tpu.memory_space<vmem>>, %arg3: memref<1x3x2048xf32, #tpu.memory_space<vmem>>, %arg4: memref<1x512x64xf32, #tpu.memory_space<vmem>>, %arg5: memref<64x64xf32, #tpu.memory_space<vmem>>, %arg6: memref<64x64xf32, #tpu.memory_space<vmem>>, %arg7: memref<64x64xf32, #tpu.memory_space<vmem>>, %arg8: memref<512x128xf32, #tpu.memory_space<vmem>>, %arg9: memref<16x512xi32, #tpu.memory_space<vmem>>, %arg10: memref<512x4xf32, #tpu.memory_space<vmem>>) attributes {dimension_semantics = [#tpu.dimension_semantics<arbitrary>, #tpu.dimension_semantics<arbitrary>], iteration_bounds = array<i64: 8, 4>, scalar_prefetch = 0 : i64, scratch_operands = 0 : i64, tpu.core_type = #tpu.core_type<tc>, window_params = [{transform_indices = @transform_0, window_bounds = array<i64: 1, 512, 3>}, {transform_indices = @transform_1, window_bounds = array<i64: 1, 3, 2048>}, {transform_indices = @transform_2, window_bounds = array<i64: 1, 512, 64>}, {pipeline_mode = #tpu.pipeline_mode<synchronous>, transform_indices = @transform_3, window_bounds = array<i64: 64, 64>}, {pipeline_mode = #tpu.pipeline_mode<synchronous>, transform_indices = @transform_4, window_bounds = array<i64: 64, 64>}, {pipeline_mode = #tpu.pipeline_mode<synchronous>, transform_indices = @transform_5, window_bounds = array<i64: 64, 64>}, {transform_indices = @transform_6, window_bounds = array<i64: 512, 128>}, {transform_indices = @transform_7, window_bounds = array<i64: 16, 512>}, {transform_indices = @transform_8, window_bounds = array<i64: 512, 4>}]} {
    %get3A = arith.constant 0 : index
    %get3A_0 = arith.constant 0 : index
    %get3A_1 = arith.constant 0 : index
    %get3A_2 = vector.load %arg2[%get3A, %get3A_0, %get3A_1] : memref<1x512x3xf32, #tpu.memory_space<vmem>>, vector<1x512x3xf32>
    %get3A_3 = vector.shape_cast %get3A_2 : vector<1x512x3xf32> to vector<512x3xf32>
    %get3A_4 = arith.constant 0 : index
    %get3A_5 = arith.constant 0 : index
    %get3A_6 = arith.constant 0 : index
    %get3A_7 = vector.load %arg3[%get3A_4, %get3A_5, %get3A_6] : memref<1x3x2048xf32, #tpu.memory_space<vmem>>, vector<1x3x2048xf32>
    %get3A_8 = vector.shape_cast %get3A_7 : vector<1x3x2048xf32> to vector<3x2048xf32>
    %get3A_9 = arith.constant 0 : index
    %get3A_10 = arith.constant 0 : index
    %get3A_11 = arith.constant 0 : index
    %get3A_12 = vector.load %arg4[%get3A_9, %get3A_10, %get3A_11] : memref<1x512x64xf32, #tpu.memory_space<vmem>>, vector<1x512x64xf32>
    %get3A_13 = vector.shape_cast %get3A_12 : vector<1x512x64xf32> to vector<512x64xf32>
    %get3A_14 = arith.constant 0 : index
    %get3A_15 = arith.constant 0 : index
    %get3A_16 = vector.load %arg5[%get3A_14, %get3A_15] : memref<64x64xf32, #tpu.memory_space<vmem>>, vector<64x64xf32>
    %dot_general3A = arith.constant dense<0.000000e+00> : vector<512x64xf32>
    %dot_general3A_17 = tpu.matmul %get3A_13, %get3A_16, %dot_general3A {dimension_numbers = #tpu.dot_dimension_numbers<[1], [0], [0], [1], [0, 0, 1, 1], [], []>, transpose_lhs_hint = false} : vector<512x64xf32>, vector<64x64xf32>, vector<512x64xf32> -> vector<512x64xf32>
    %get3A_18 = arith.constant 0 : index
    %get3A_19 = arith.constant 0 : index
    %get3A_20 = vector.load %arg7[%get3A_18, %get3A_19] : memref<64x64xf32, #tpu.memory_space<vmem>>, vector<64x64xf32>
    %dot_general3A_21 = arith.constant dense<0.000000e+00> : vector<512x64xf32>
    %dot_general3A_22 = tpu.matmul %dot_general3A_17, %get3A_20, %dot_general3A_21 {dimension_numbers = #tpu.dot_dimension_numbers<[1], [0], [0], [1], [0, 0, 1, 1], [], []>, transpose_lhs_hint = false} : vector<512x64xf32>, vector<64x64xf32>, vector<512x64xf32> -> vector<512x64xf32>
    %swap3A = arith.constant 0 : index
    %swap3A_23 = arith.constant 0 : index
    %swap3A_24 = vector.load %arg8[%swap3A, %swap3A_23] : memref<512x128xf32, #tpu.memory_space<vmem>>, vector<512x64xf32>
    tpu.vector_store %arg8[%swap3A, %swap3A_23], %dot_general3A_22 {strides = array<i32>} : memref<512x128xf32, #tpu.memory_space<vmem>>, vector<512x64xf32>,
    %get3A_25 = arith.constant 0 : index
    %get3A_26 = arith.constant 0 : index
    %get3A_27 = vector.load %arg6[%get3A_25, %get3A_26] : memref<64x64xf32, #tpu.memory_space<vmem>>, vector<64x64xf32>
    %dot_general3A_28 = arith.constant dense<0.000000e+00> : vector<512x64xf32>
    %dot_general3A_29 = tpu.matmul %get3A_13, %get3A_27, %dot_general3A_28 {dimension_numbers = #tpu.dot_dimension_numbers<[1], [0], [0], [1], [0, 0, 1, 1], [], []>, transpose_lhs_hint = false} : vector<512x64xf32>, vector<64x64xf32>, vector<512x64xf32> -> vector<512x64xf32>
    %swap3A_30 = arith.constant 0 : index
    %swap3A_31 = arith.constant 64 : index
    %swap3A_32 = vector.load %arg8[%swap3A_30, %swap3A_31] : memref<512x128xf32, #tpu.memory_space<vmem>>, vector<512x64xf32>
    tpu.vector_store %arg8[%swap3A_30, %swap3A_31], %dot_general3A_29 {strides = array<i32>} : memref<512x128xf32, #tpu.memory_space<vmem>>, vector<512x64xf32>,
    %mul3A = arith.mulf %get3A_3, %get3A_3 : vector<512x3xf32>
    %reduce_sum3A = arith.constant dense<0.000000e+00> : vector<512xf32>
    %reduce_sum3A_33 = vector.multi_reduction <add>, %mul3A, %reduce_sum3A [1] : vector<512x3xf32> to vector<512xf32>
    %broadcast_in_dim3A = vector.shape_cast %reduce_sum3A_33 : vector<512xf32> to vector<512x1xf32>
    %mul3A_34 = arith.mulf %get3A_8, %get3A_8 : vector<3x2048xf32>
    %reduce_sum3A_35 = arith.constant dense<0.000000e+00> : vector<2048xf32>
    %reduce_sum3A_36 = vector.multi_reduction <add>, %mul3A_34, %reduce_sum3A_35 [0] : vector<3x2048xf32> to vector<2048xf32>
    %broadcast_in_dim3A_37 = vector.shape_cast %reduce_sum3A_36 : vector<2048xf32> to vector<1x2048xf32>
    %convert_element_type3A = arith.truncf %get3A_3 : vector<512x3xf32> to vector<512x3xbf16>
    %convert_element_type3A_38 = arith.extf %convert_element_type3A : vector<512x3xbf16> to vector<512x3xf32>
    %convert_element_type3A_39 = arith.truncf %get3A_8 : vector<3x2048xf32> to vector<3x2048xbf16>
    %convert_element_type3A_40 = arith.extf %convert_element_type3A_39 : vector<3x2048xbf16> to vector<3x2048xf32>
    %slice3A = vector.extract_strided_slice %convert_element_type3A_38 {offsets = [0, 0], sizes = [512, 1], strides = [1, 1]} : vector<512x3xf32> to vector<512x1xf32>
    %slice3A_41 = vector.extract_strided_slice %convert_element_type3A_40 {offsets = [0, 0], sizes = [1, 2048], strides = [1, 1]} : vector<3x2048xf32> to vector<1x2048xf32>
    %mul3A_42 = vector.broadcast %slice3A : vector<512x1xf32> to vector<512x2048xf32>
    %mul3A_43 = vector.broadcast %slice3A_41 : vector<1x2048xf32> to vector<512x2048xf32>
    %mul3A_44 = arith.mulf %mul3A_42, %mul3A_43 : vector<512x2048xf32>
    %slice3A_45 = vector.extract_strided_slice %convert_element_type3A_38 {offsets = [0, 1], sizes = [512, 1], strides = [1, 1]} : vector<512x3xf32> to vector<512x1xf32>
    %slice3A_46 = vector.extract_strided_slice %convert_element_type3A_40 {offsets = [1, 0], sizes = [1, 2048], strides = [1, 1]} : vector<3x2048xf32> to vector<1x2048xf32>
    %mul3A_47 = vector.broadcast %slice3A_45 : vector<512x1xf32> to vector<512x2048xf32>
    %mul3A_48 = vector.broadcast %slice3A_46 : vector<1x2048xf32> to vector<512x2048xf32>
    %mul3A_49 = arith.mulf %mul3A_47, %mul3A_48 : vector<512x2048xf32>
    %add3A = arith.addf %mul3A_44, %mul3A_49 : vector<512x2048xf32>
    %slice3A_50 = vector.extract_strided_slice %convert_element_type3A_38 {offsets = [0, 2], sizes = [512, 1], strides = [1, 1]} : vector<512x3xf32> to vector<512x1xf32>
    %slice3A_51 = vector.extract_strided_slice %convert_element_type3A_40 {offsets = [2, 0], sizes = [1, 2048], strides = [1, 1]} : vector<3x2048xf32> to vector<1x2048xf32>
    %mul3A_52 = vector.broadcast %slice3A_50 : vector<512x1xf32> to vector<512x2048xf32>
    %mul3A_53 = vector.broadcast %slice3A_51 : vector<1x2048xf32> to vector<512x2048xf32>
    %mul3A_54 = arith.mulf %mul3A_52, %mul3A_53 : vector<512x2048xf32>
    %add3A_55 = arith.addf %add3A, %mul3A_54 : vector<512x2048xf32>
    %add3A_56 = vector.broadcast %broadcast_in_dim3A : vector<512x1xf32> to vector<512x2048xf32>
    %add3A_57 = vector.broadcast %broadcast_in_dim3A_37 : vector<1x2048xf32> to vector<512x2048xf32>
    %add3A_58 = arith.addf %add3A_56, %add3A_57 : vector<512x2048xf32>
    %mul3A_59 = arith.constant 2.000000e+00 : f32
    %mul3A_60 = vector.broadcast %mul3A_59 : f32 to vector<512x2048xf32>
    %mul3A_61 = arith.mulf %mul3A_60, %add3A_55 : vector<512x2048xf32>
    %sub3A = arith.subf %add3A_58, %mul3A_61 : vector<512x2048xf32>
    %iota3A = tpu.iota {dimensions = array<i32: 1>} : vector<512x2048xi32>
    %argmin3A = tpu.reduce_index %sub3A {axis = 1 : i32, kind = #tpu.reduction_kind<arg_min>} : vector<512x2048xf32> -> vector<512xi32>
    %reshape3A = vector.shape_cast %argmin3A : vector<512xi32> to vector<512x1xi32>
    %eq3A = vector.broadcast %reshape3A : vector<512x1xi32> to vector<512x2048xi32>
    %eq3A_62 = arith.cmpi eq, %iota3A, %eq3A : vector<512x2048xi32>
    %jit3A = arith.constant 3.000000e+38 : f32
    %broadcast_in_dim3A_63 = vector.broadcast %jit3A : f32 to vector<512x2048xf32>
    %select_n3A = arith.select %eq3A_62, %broadcast_in_dim3A_63, %sub3A : vector<512x2048xi1>, vector<512x2048xf32>
    %convert_element_type3A_64 = arith.sitofp %reshape3A : vector<512x1xi32> to vector<512x1xf32>
    %argmin3A_65 = tpu.reduce_index %select_n3A {axis = 1 : i32, kind = #tpu.reduction_kind<arg_min>} : vector<512x2048xf32> -> vector<512xi32>
    %reshape3A_66 = vector.shape_cast %argmin3A_65 : vector<512xi32> to vector<512x1xi32>
    %eq3A_67 = vector.broadcast %reshape3A_66 : vector<512x1xi32> to vector<512x2048xi32>
    %eq3A_68 = arith.cmpi eq, %iota3A, %eq3A_67 : vector<512x2048xi32>
    %jit3A_69 = arith.constant 3.000000e+38 : f32
    %broadcast_in_dim3A_70 = vector.broadcast %jit3A_69 : f32 to vector<512x2048xf32>
    %select_n3A_71 = arith.select %eq3A_68, %broadcast_in_dim3A_70, %select_n3A : vector<512x2048xi1>, vector<512x2048xf32>
    %convert_element_type3A_72 = arith.sitofp %reshape3A_66 : vector<512x1xi32> to vector<512x1xf32>
    %argmin3A_73 = tpu.reduce_index %select_n3A_71 {axis = 1 : i32, kind = #tpu.reduction_kind<arg_min>} : vector<512x2048xf32> -> vector<512xi32>
    %reshape3A_74 = vector.shape_cast %argmin3A_73 : vector<512xi32> to vector<512x1xi32>
    %eq3A_75 = vector.broadcast %reshape3A_74 : vector<512x1xi32> to vector<512x2048xi32>
    %eq3A_76 = arith.cmpi eq, %iota3A, %eq3A_75 : vector<512x2048xi32>
    %jit3A_77 = arith.constant 3.000000e+38 : f32
    %broadcast_in_dim3A_78 = vector.broadcast %jit3A_77 : f32 to vector<512x2048xf32>
    %select_n3A_79 = arith.select %eq3A_76, %broadcast_in_dim3A_78, %select_n3A_71 : vector<512x2048xi1>, vector<512x2048xf32>
    %convert_element_type3A_80 = arith.sitofp %reshape3A_74 : vector<512x1xi32> to vector<512x1xf32>
    %argmin3A_81 = tpu.reduce_index %select_n3A_79 {axis = 1 : i32, kind = #tpu.reduction_kind<arg_min>} : vector<512x2048xf32> -> vector<512xi32>
    %reshape3A_82 = vector.shape_cast %argmin3A_81 : vector<512xi32> to vector<512x1xi32>
    %eq3A_83 = vector.broadcast %reshape3A_82 : vector<512x1xi32> to vector<512x2048xi32>
    %eq3A_84 = arith.cmpi eq, %iota3A, %eq3A_83 : vector<512x2048xi32>
    %jit3A_85 = arith.constant 3.000000e+38 : f32
    %broadcast_in_dim3A_86 = vector.broadcast %jit3A_85 : f32 to vector<512x2048xf32>
    %select_n3A_87 = arith.select %eq3A_84, %broadcast_in_dim3A_86, %select_n3A_79 : vector<512x2048xi1>, vector<512x2048xf32>
    %convert_element_type3A_88 = arith.sitofp %reshape3A_82 : vector<512x1xi32> to vector<512x1xf32>
    %argmin3A_89 = tpu.reduce_index %select_n3A_87 {axis = 1 : i32, kind = #tpu.reduction_kind<arg_min>} : vector<512x2048xf32> -> vector<512xi32>
    %reshape3A_90 = vector.shape_cast %argmin3A_89 : vector<512xi32> to vector<512x1xi32>
    %eq3A_91 = vector.broadcast %reshape3A_90 : vector<512x1xi32> to vector<512x2048xi32>
    %eq3A_92 = arith.cmpi eq, %iota3A, %eq3A_91 : vector<512x2048xi32>
    %jit3A_93 = arith.constant 3.000000e+38 : f32
    %broadcast_in_dim3A_94 = vector.broadcast %jit3A_93 : f32 to vector<512x2048xf32>
    %select_n3A_95 = arith.select %eq3A_92, %broadcast_in_dim3A_94, %select_n3A_87 : vector<512x2048xi1>, vector<512x2048xf32>
    %convert_element_type3A_96 = arith.sitofp %reshape3A_90 : vector<512x1xi32> to vector<512x1xf32>
    %argmin3A_97 = tpu.reduce_index %select_n3A_95 {axis = 1 : i32, kind = #tpu.reduction_kind<arg_min>} : vector<512x2048xf32> -> vector<512xi32>
    %reshape3A_98 = vector.shape_cast %argmin3A_97 : vector<512xi32> to vector<512x1xi32>
    %eq3A_99 = vector.broadcast %reshape3A_98 : vector<512x1xi32> to vector<512x2048xi32>
    %eq3A_100 = arith.cmpi eq, %iota3A, %eq3A_99 : vector<512x2048xi32>
    %jit3A_101 = arith.constant 3.000000e+38 : f32
    %broadcast_in_dim3A_102 = vector.broadcast %jit3A_101 : f32 to vector<512x2048xf32>
    %select_n3A_103 = arith.select %eq3A_100, %broadcast_in_dim3A_102, %select_n3A_95 : vector<512x2048xi1>, vector<512x2048xf32>
    %convert_element_type3A_104 = arith.sitofp %reshape3A_98 : vector<512x1xi32> to vector<512x1xf32>
    %argmin3A_105 = tpu.reduce_index %select_n3A_103 {axis = 1 : i32, kind = #tpu.reduction_kind<arg_min>} : vector<512x2048xf32> -> vector<512xi32>
    %reshape3A_106 = vector.shape_cast %argmin3A_105 : vector<512xi32> to vector<512x1xi32>
    %eq3A_107 = vector.broadcast %reshape3A_106 : vector<512x1xi32> to vector<512x2048xi32>
    %eq3A_108 = arith.cmpi eq, %iota3A, %eq3A_107 : vector<512x2048xi32>
    %jit3A_109 = arith.constant 3.000000e+38 : f32
    %broadcast_in_dim3A_110 = vector.broadcast %jit3A_109 : f32 to vector<512x2048xf32>
    %select_n3A_111 = arith.select %eq3A_108, %broadcast_in_dim3A_110, %select_n3A_103 : vector<512x2048xi1>, vector<512x2048xf32>
    %convert_element_type3A_112 = arith.sitofp %reshape3A_106 : vector<512x1xi32> to vector<512x1xf32>
    %argmin3A_113 = tpu.reduce_index %select_n3A_111 {axis = 1 : i32, kind = #tpu.reduction_kind<arg_min>} : vector<512x2048xf32> -> vector<512xi32>
    %reshape3A_114 = vector.shape_cast %argmin3A_113 : vector<512xi32> to vector<512x1xi32>
    %eq3A_115 = vector.broadcast %reshape3A_114 : vector<512x1xi32> to vector<512x2048xi32>
    %eq3A_116 = arith.cmpi eq, %iota3A, %eq3A_115 : vector<512x2048xi32>
    %jit3A_117 = arith.constant 3.000000e+38 : f32
    %broadcast_in_dim3A_118 = vector.broadcast %jit3A_117 : f32 to vector<512x2048xf32>
    %select_n3A_119 = arith.select %eq3A_116, %broadcast_in_dim3A_118, %select_n3A_111 : vector<512x2048xi1>, vector<512x2048xf32>
    %convert_element_type3A_120 = arith.sitofp %reshape3A_114 : vector<512x1xi32> to vector<512x1xf32>
    %argmin3A_121 = tpu.reduce_index %select_n3A_119 {axis = 1 : i32, kind = #tpu.reduction_kind<arg_min>} : vector<512x2048xf32> -> vector<512xi32>
    %reshape3A_122 = vector.shape_cast %argmin3A_121 : vector<512xi32> to vector<512x1xi32>
    %eq3A_123 = vector.broadcast %reshape3A_122 : vector<512x1xi32> to vector<512x2048xi32>
    %eq3A_124 = arith.cmpi eq, %iota3A, %eq3A_123 : vector<512x2048xi32>
    %jit3A_125 = arith.constant 3.000000e+38 : f32
    %broadcast_in_dim3A_126 = vector.broadcast %jit3A_125 : f32 to vector<512x2048xf32>
    %select_n3A_127 = arith.select %eq3A_124, %broadcast_in_dim3A_126, %select_n3A_119 : vector<512x2048xi1>, vector<512x2048xf32>
    %convert_element_type3A_128 = arith.sitofp %reshape3A_122 : vector<512x1xi32> to vector<512x1xf32>
    %argmin3A_129 = tpu.reduce_index %select_n3A_127 {axis = 1 : i32, kind = #tpu.reduction_kind<arg_min>} : vector<512x2048xf32> -> vector<512xi32>
    %reshape3A_130 = vector.shape_cast %argmin3A_129 : vector<512xi32> to vector<512x1xi32>
    %eq3A_131 = vector.broadcast %reshape3A_130 : vector<512x1xi32> to vector<512x2048xi32>
    %eq3A_132 = arith.cmpi eq, %iota3A, %eq3A_131 : vector<512x2048xi32>
    %jit3A_133 = arith.constant 3.000000e+38 : f32
    %broadcast_in_dim3A_134 = vector.broadcast %jit3A_133 : f32 to vector<512x2048xf32>
    %select_n3A_135 = arith.select %eq3A_132, %broadcast_in_dim3A_134, %select_n3A_127 : vector<512x2048xi1>, vector<512x2048xf32>
    %convert_element_type3A_136 = arith.sitofp %reshape3A_130 : vector<512x1xi32> to vector<512x1xf32>
    %argmin3A_137 = tpu.reduce_index %select_n3A_135 {axis = 1 : i32, kind = #tpu.reduction_kind<arg_min>} : vector<512x2048xf32> -> vector<512xi32>
    %reshape3A_138 = vector.shape_cast %argmin3A_137 : vector<512xi32> to vector<512x1xi32>
    %eq3A_139 = vector.broadcast %reshape3A_138 : vector<512x1xi32> to vector<512x2048xi32>
    %eq3A_140 = arith.cmpi eq, %iota3A, %eq3A_139 : vector<512x2048xi32>
    %jit3A_141 = arith.constant 3.000000e+38 : f32
    %broadcast_in_dim3A_142 = vector.broadcast %jit3A_141 : f32 to vector<512x2048xf32>
    %select_n3A_143 = arith.select %eq3A_140, %broadcast_in_dim3A_142, %select_n3A_135 : vector<512x2048xi1>, vector<512x2048xf32>
    %convert_element_type3A_144 = arith.sitofp %reshape3A_138 : vector<512x1xi32> to vector<512x1xf32>
    %argmin3A_145 = tpu.reduce_index %select_n3A_143 {axis = 1 : i32, kind = #tpu.reduction_kind<arg_min>} : vector<512x2048xf32> -> vector<512xi32>
    %reshape3A_146 = vector.shape_cast %argmin3A_145 : vector<512xi32> to vector<512x1xi32>
    %eq3A_147 = vector.broadcast %reshape3A_146 : vector<512x1xi32> to vector<512x2048xi32>
    %eq3A_148 = arith.cmpi eq, %iota3A, %eq3A_147 : vector<512x2048xi32>
    %jit3A_149 = arith.constant 3.000000e+38 : f32
    %broadcast_in_dim3A_150 = vector.broadcast %jit3A_149 : f32 to vector<512x2048xf32>
    %select_n3A_151 = arith.select %eq3A_148, %broadcast_in_dim3A_150, %select_n3A_143 : vector<512x2048xi1>, vector<512x2048xf32>
    %convert_element_type3A_152 = arith.sitofp %reshape3A_146 : vector<512x1xi32> to vector<512x1xf32>
    %argmin3A_153 = tpu.reduce_index %select_n3A_151 {axis = 1 : i32, kind = #tpu.reduction_kind<arg_min>} : vector<512x2048xf32> -> vector<512xi32>
    %reshape3A_154 = vector.shape_cast %argmin3A_153 : vector<512xi32> to vector<512x1xi32>
    %eq3A_155 = vector.broadcast %reshape3A_154 : vector<512x1xi32> to vector<512x2048xi32>
    %eq3A_156 = arith.cmpi eq, %iota3A, %eq3A_155 : vector<512x2048xi32>
    %jit3A_157 = arith.constant 3.000000e+38 : f32
    %broadcast_in_dim3A_158 = vector.broadcast %jit3A_157 : f32 to vector<512x2048xf32>
    %select_n3A_159 = arith.select %eq3A_156, %broadcast_in_dim3A_158, %select_n3A_151 : vector<512x2048xi1>, vector<512x2048xf32>
    %convert_element_type3A_160 = arith.sitofp %reshape3A_154 : vector<512x1xi32> to vector<512x1xf32>
    %argmin3A_161 = tpu.reduce_index %select_n3A_159 {axis = 1 : i32, kind = #tpu.reduction_kind<arg_min>} : vector<512x2048xf32> -> vector<512xi32>
    %reshape3A_162 = vector.shape_cast %argmin3A_161 : vector<512xi32> to vector<512x1xi32>
    %eq3A_163 = vector.broadcast %reshape3A_162 : vector<512x1xi32> to vector<512x2048xi32>
    %eq3A_164 = arith.cmpi eq, %iota3A, %eq3A_163 : vector<512x2048xi32>
    %jit3A_165 = arith.constant 3.000000e+38 : f32
    %broadcast_in_dim3A_166 = vector.broadcast %jit3A_165 : f32 to vector<512x2048xf32>
    %select_n3A_167 = arith.select %eq3A_164, %broadcast_in_dim3A_166, %select_n3A_159 : vector<512x2048xi1>, vector<512x2048xf32>
    %convert_element_type3A_168 = arith.sitofp %reshape3A_162 : vector<512x1xi32> to vector<512x1xf32>
    %argmin3A_169 = tpu.reduce_index %select_n3A_167 {axis = 1 : i32, kind = #tpu.reduction_kind<arg_min>} : vector<512x2048xf32> -> vector<512xi32>
    %reshape3A_170 = vector.shape_cast %argmin3A_169 : vector<512xi32> to vector<512x1xi32>
    %eq3A_171 = vector.broadcast %reshape3A_170 : vector<512x1xi32> to vector<512x2048xi32>
    %eq3A_172 = arith.cmpi eq, %iota3A, %eq3A_171 : vector<512x2048xi32>
    %jit3A_173 = arith.constant 3.000000e+38 : f32
    %broadcast_in_dim3A_174 = vector.broadcast %jit3A_173 : f32 to vector<512x2048xf32>
    %select_n3A_175 = arith.select %eq3A_172, %broadcast_in_dim3A_174, %select_n3A_167 : vector<512x2048xi1>, vector<512x2048xf32>
    %convert_element_type3A_176 = arith.sitofp %reshape3A_170 : vector<512x1xi32> to vector<512x1xf32>
    %argmin3A_177 = tpu.reduce_index %select_n3A_175 {axis = 1 : i32, kind = #tpu.reduction_kind<arg_min>} : vector<512x2048xf32> -> vector<512xi32>
    %reshape3A_178 = vector.shape_cast %argmin3A_177 : vector<512xi32> to vector<512x1xi32>
    %convert_element_type3A_179 = arith.sitofp %reshape3A_178 : vector<512x1xi32> to vector<512x1xf32>
    %concatenate3A = tpu.concatenate %convert_element_type3A_64, %convert_element_type3A_72, %convert_element_type3A_80, %convert_element_type3A_88, %convert_element_type3A_96, %convert_element_type3A_104, %convert_element_type3A_112, %convert_element_type3A_120, %convert_element_type3A_128, %convert_element_type3A_136, %convert_element_type3A_144, %convert_element_type3A_152, %convert_element_type3A_160, %convert_element_type3A_168, %convert_element_type3A_176, %convert_element_type3A_179 in 1 : vector<512x1xf32>, vector<512x1xf32>, vector<512x1xf32>, vector<512x1xf32>, vector<512x1xf32>, vector<512x1xf32>, vector<512x1xf32>, vector<512x1xf32>, vector<512x1xf32>, vector<512x1xf32>, vector<512x1xf32>, vector<512x1xf32>, vector<512x1xf32>, vector<512x1xf32>, vector<512x1xf32>, vector<512x1xf32> -> vector<512x16xf32>
    %transpose3A = tpu.transpose %concatenate3A, [1, 0] : vector<512x16xf32> -> vector<16x512xf32>
    %convert_element_type3A_180 = arith.fptosi %transpose3A : vector<16x512xf32> to vector<16x512xi32>
    %mul3A_181 = arith.constant 2048 : i32
    %mul3A_182 = arith.muli %arg0, %mul3A_181 : i32
    %add3A_183 = vector.broadcast %mul3A_182 : i32 to vector<16x512xi32>
    %add3A_184 = arith.addi %convert_element_type3A_180, %add3A_183 : vector<16x512xi32>
    %swap3A_185 = arith.constant 0 : index
    %swap3A_186 = arith.constant 0 : index
    %swap3A_187 = vector.load %arg9[%swap3A_185, %swap3A_186] : memref<16x512xi32, #tpu.memory_space<vmem>>, vector<16x512xi32>
    tpu.vector_store %arg9[%swap3A_185, %swap3A_186], %add3A_184 {strides = array<i32>} : memref<16x512xi32, #tpu.memory_space<vmem>>, vector<16x512xi32>,
    %broadcast_in_dim3A_188 = arith.constant 0.000000e+00 : f32
    %broadcast_in_dim3A_189 = vector.broadcast %broadcast_in_dim3A_188 : f32 to vector<512x1xf32>
    %concatenate3A_190 = tpu.concatenate %get3A_3, %broadcast_in_dim3A_189 in 1 : vector<512x3xf32>, vector<512x1xf32> -> vector<512x4xf32>
    %swap3A_191 = arith.constant 0 : index
    %swap3A_192 = arith.constant 0 : index
    %swap3A_193 = vector.load %arg10[%swap3A_191, %swap3A_192] : memref<512x4xf32, #tpu.memory_space<vmem>>, vector<512x4xf32>
    tpu.vector_store %arg10[%swap3A_191, %swap3A_192], %concatenate3A_190 {strides = array<i32>} : memref<512x4xf32, #tpu.memory_space<vmem>>, vector<512x4xf32>,
    return
  }
  func.func @transform_0(%arg0: i32, %arg1: i32) -> (i32, i32, i32) {
    %c0_i32 = arith.constant 0 : i32
    %c0_i32_0 = arith.constant 0 : i32
    return %arg0, %arg1, %c0_i32 : i32, i32, i32
  }
  func.func @transform_1(%arg0: i32, %arg1: i32) -> (i32, i32, i32) {
    %c0_i32 = arith.constant 0 : i32
    %c0_i32_0 = arith.constant 0 : i32
    %c0_i32_1 = arith.constant 0 : i32
    return %arg0, %c0_i32, %c0_i32_0 : i32, i32, i32
  }
  func.func @transform_2(%arg0: i32, %arg1: i32) -> (i32, i32, i32) {
    %c0_i32 = arith.constant 0 : i32
    %c0_i32_0 = arith.constant 0 : i32
    return %arg0, %arg1, %c0_i32 : i32, i32, i32
  }
  func.func @transform_3(%arg0: i32, %arg1: i32) -> (i32, i32) {
    %c0_i32 = arith.constant 0 : i32
    %c0_i32_0 = arith.constant 0 : i32
    %c0_i32_1 = arith.constant 0 : i32
    return %c0_i32, %c0_i32_0 : i32, i32
  }
  func.func @transform_4(%arg0: i32, %arg1: i32) -> (i32, i32) {
    %c0_i32 = arith.constant 0 : i32
    %c0_i32_0 = arith.constant 0 : i32
    %c0_i32_1 = arith.constant 0 : i32
    return %c0_i32, %c0_i32_0 : i32, i32
  }
  func.func @transform_5(%arg0: i32, %arg1: i32) -> (i32, i32) {
    %c0_i32 = arith.constant 0 : i32
    %c0_i32_0 = arith.constant 0 : i32
    %c0_i32_1 = arith.constant 0 : i32
    return %c0_i32, %c0_i32_0 : i32, i32
  }
  func.func @transform_6(%arg0: i32, %arg1: i32) -> (i32, i32) {
    %mul3A = arith.constant 4 : i32
    %mul3A_0 = arith.muli %arg0, %mul3A : i32
    %add3A = arith.addi %mul3A_0, %arg1 : i32
    %c0_i32 = arith.constant 0 : i32
    %c0_i32_1 = arith.constant 0 : i32
    return %add3A, %c0_i32 : i32, i32
  }
  func.func @transform_7(%arg0: i32, %arg1: i32) -> (i32, i32) {
    %mul3A = arith.constant 4 : i32
    %mul3A_0 = arith.muli %arg0, %mul3A : i32
    %add3A = arith.addi %mul3A_0, %arg1 : i32
    %c0_i32 = arith.constant 0 : i32
    %c0_i32_1 = arith.constant 0 : i32
    return %c0_i32, %add3A : i32, i32
  }
  func.func @transform_8(%arg0: i32, %arg1: i32) -> (i32, i32) {
    %mul3A = arith.constant 4 : i32
    %mul3A_0 = arith.muli %arg0, %mul3A : i32
    %add3A = arith.addi %mul3A_0, %arg1 : i32
    %c0_i32 = arith.constant 0 : i32
    %c0_i32_1 = arith.constant 0 : i32
    return %add3A, %c0_i32 : i32, i32
  }
}

module attributes {stable_mosaic.version = 14 : i64} {
  func.func @_stage3_body(%arg0: i32, %arg1: memref<512x64xf32, #tpu.memory_space<vmem>>, %arg2: memref<512x4xf32, #tpu.memory_space<vmem>>, %arg3: memref<16x512x128xf32, #tpu.memory_space<vmem>>, %arg4: memref<16x512x4xf32, #tpu.memory_space<vmem>>, %arg5: memref<64x64xf32, #tpu.memory_space<vmem>>, %arg6: memref<3x12xf32, #tpu.memory_space<vmem>>, %arg7: memref<1x12xf32, #tpu.memory_space<vmem>>, %arg8: memref<1x12xf32, #tpu.memory_space<vmem>>, %arg9: memref<1x12xf32, #tpu.memory_space<vmem>>, %arg10: memref<12x64xf32, #tpu.memory_space<vmem>>, %arg11: memref<1x64xf32, #tpu.memory_space<vmem>>, %arg12: memref<64x64xf32, #tpu.memory_space<vmem>>, %arg13: memref<1x64xf32, #tpu.memory_space<vmem>>, %arg14: memref<1x64xf32, #tpu.memory_space<vmem>>, %arg15: memref<1x64xf32, #tpu.memory_space<vmem>>, %arg16: memref<64x64xf32, #tpu.memory_space<vmem>>, %arg17: memref<1x64xf32, #tpu.memory_space<vmem>>, %arg18: memref<512x64xf32, #tpu.memory_space<vmem>>) attributes {dimension_semantics = [#tpu.dimension_semantics<arbitrary>], iteration_bounds = array<i64: 32>, scalar_prefetch = 0 : i64, scratch_operands = 0 : i64, tpu.core_type = #tpu.core_type<tc>, window_params = [{transform_indices = @transform_0, window_bounds = array<i64: 512, 64>}, {transform_indices = @transform_1, window_bounds = array<i64: 512, 4>}, {transform_indices = @transform_2, window_bounds = array<i64: 16, 512, 128>}, {transform_indices = @transform_3, window_bounds = array<i64: 16, 512, 4>}, {pipeline_mode = #tpu.pipeline_mode<synchronous>, transform_indices = @transform_4, window_bounds = array<i64: 64, 64>}, {pipeline_mode = #tpu.pipeline_mode<synchronous>, transform_indices = @transform_5, window_bounds = array<i64: 3, 12>}, {pipeline_mode = #tpu.pipeline_mode<synchronous>, transform_indices = @transform_6, window_bounds = array<i64: 1, 12>}, {pipeline_mode = #tpu.pipeline_mode<synchronous>, transform_indices = @transform_7, window_bounds = array<i64: 1, 12>}, {pipeline_mode = #tpu.pipeline_mode<synchronous>, transform_indices = @transform_8, window_bounds = array<i64: 1, 12>}, {pipeline_mode = #tpu.pipeline_mode<synchronous>, transform_indices = @transform_9, window_bounds = array<i64: 12, 64>}, {pipeline_mode = #tpu.pipeline_mode<synchronous>, transform_indices = @transform_10, window_bounds = array<i64: 1, 64>}, {pipeline_mode = #tpu.pipeline_mode<synchronous>, transform_indices = @transform_11, window_bounds = array<i64: 64, 64>}, {pipeline_mode = #tpu.pipeline_mode<synchronous>, transform_indices = @transform_12, window_bounds = array<i64: 1, 64>}, {pipeline_mode = #tpu.pipeline_mode<synchronous>, transform_indices = @transform_13, window_bounds = array<i64: 1, 64>}, {pipeline_mode = #tpu.pipeline_mode<synchronous>, transform_indices = @transform_14, window_bounds = array<i64: 1, 64>}, {pipeline_mode = #tpu.pipeline_mode<synchronous>, transform_indices = @transform_15, window_bounds = array<i64: 64, 64>}, {pipeline_mode = #tpu.pipeline_mode<synchronous>, transform_indices = @transform_16, window_bounds = array<i64: 1, 64>}, {transform_indices = @transform_17, window_bounds = array<i64: 512, 64>}]} {
    %get3A = arith.constant 0 : index
    %get3A_0 = arith.constant 0 : index
    %get3A_1 = vector.load %arg1[%get3A, %get3A_0] : memref<512x64xf32, #tpu.memory_space<vmem>>, vector<512x64xf32>
    %get3A_2 = arith.constant 0 : index
    %get3A_3 = arith.constant 0 : index
    %get3A_4 = vector.load %arg2[%get3A_2, %get3A_3] : memref<512x4xf32, #tpu.memory_space<vmem>>, vector<512x4xf32>
    %slice3A = vector.extract_strided_slice %get3A_4 {offsets = [0, 0], sizes = [512, 3], strides = [1, 1]} : vector<512x4xf32> to vector<512x3xf32>
    %get3A_5 = arith.constant 0 : index
    %get3A_6 = arith.constant 0 : index
    %get3A_7 = vector.load %arg12[%get3A_5, %get3A_6] : memref<64x64xf32, #tpu.memory_space<vmem>>, vector<64x64xf32>
    %get3A_8 = arith.constant 0 : index
    %get3A_9 = arith.constant 0 : index
    %get3A_10 = vector.load %arg16[%get3A_8, %get3A_9] : memref<64x64xf32, #tpu.memory_space<vmem>>, vector<64x64xf32>
    %get3A_11 = arith.constant 0 : index
    %get3A_12 = arith.constant 0 : index
    %get3A_13 = vector.load %arg10[%get3A_11, %get3A_12] : memref<12x64xf32, #tpu.memory_space<vmem>>, vector<12x64xf32>
    %get3A_14 = arith.constant 0 : index
    %get3A_15 = arith.constant 0 : index
    %get3A_16 = vector.load %arg5[%get3A_14, %get3A_15] : memref<64x64xf32, #tpu.memory_space<vmem>>, vector<64x64xf32>
    %dot_general3A = arith.constant dense<0.000000e+00> : vector<64x64xf32>
    %dot_general3A_17 = tpu.matmul %get3A_16, %get3A_7, %dot_general3A {dimension_numbers = #tpu.dot_dimension_numbers<[1], [0], [0], [1], [0, 0, 1, 1], [], []>, transpose_lhs_hint = false} : vector<64x64xf32>, vector<64x64xf32>, vector<64x64xf32> -> vector<64x64xf32>
    %dot_general3A_18 = arith.constant dense<0.000000e+00> : vector<512x64xf32>
    %dot_general3A_19 = tpu.matmul %get3A_1, %dot_general3A_17, %dot_general3A_18 {dimension_numbers = #tpu.dot_dimension_numbers<[1], [0], [0], [1], [0, 0, 1, 1], [], []>, transpose_lhs_hint = false} : vector<512x64xf32>, vector<64x64xf32>, vector<512x64xf32> -> vector<512x64xf32>
    %dot_general3A_20 = arith.constant dense<0.000000e+00> : vector<12x64xf32>
    %dot_general3A_21 = tpu.matmul %get3A_13, %get3A_7, %dot_general3A_20 {dimension_numbers = #tpu.dot_dimension_numbers<[1], [0], [0], [1], [0, 0, 1, 1], [], []>, transpose_lhs_hint = false} : vector<12x64xf32>, vector<64x64xf32>, vector<12x64xf32> -> vector<12x64xf32>
    %get3A_22 = arith.constant 0 : index
    %get3A_23 = arith.constant 0 : index
    %get3A_24 = vector.load %arg11[%get3A_22, %get3A_23] : memref<1x64xf32, #tpu.memory_space<vmem>>, vector<1x64xf32>
    %dot_general3A_25 = arith.constant dense<0.000000e+00> : vector<1x64xf32>
    %dot_general3A_26 = tpu.matmul %get3A_24, %get3A_7, %dot_general3A_25 {dimension_numbers = #tpu.dot_dimension_numbers<[1], [0], [0], [1], [0, 0, 1, 1], [], []>, transpose_lhs_hint = false} : vector<1x64xf32>, vector<64x64xf32>, vector<1x64xf32> -> vector<1x64xf32>
    %get3A_27 = arith.constant 0 : index
    %get3A_28 = arith.constant 0 : index
    %get3A_29 = vector.load %arg13[%get3A_27, %get3A_28] : memref<1x64xf32, #tpu.memory_space<vmem>>, vector<1x64xf32>
    %add3A = arith.addf %dot_general3A_26, %get3A_29 : vector<1x64xf32>
    %get3A_30 = arith.constant 0 : index
    %get3A_31 = arith.constant 0 : index
    %get3A_32 = vector.load %arg6[%get3A_30, %get3A_31] : memref<3x12xf32, #tpu.memory_space<vmem>>, vector<3x12xf32>
    %convert_element_type3A = arith.truncf %get3A_32 : vector<3x12xf32> to vector<3x12xbf16>
    %convert_element_type3A_33 = arith.extf %convert_element_type3A : vector<3x12xbf16> to vector<3x12xf32>
    %broadcast_in_dim3A = arith.constant 0.0833333358 : f32
    %broadcast_in_dim3A_34 = vector.broadcast %broadcast_in_dim3A : f32 to vector<12x12xf32>
    %broadcast_in_dim3A_35 = arith.constant 1.562500e-02 : f32
    %broadcast_in_dim3A_36 = vector.broadcast %broadcast_in_dim3A_35 : f32 to vector<64x64xf32>
    %get3A_37 = arith.constant 0 : index
    %get3A_38 = arith.constant 0 : index
    %get3A_39 = arith.constant 0 : index
    %get3A_40 = vector.load %arg3[%get3A_37, %get3A_38, %get3A_39] : memref<16x512x128xf32, #tpu.memory_space<vmem>>, vector<16x512x128xf32>
    %reshape3A = vector.shape_cast %get3A_40 : vector<16x512x128xf32> to vector<8192x128xf32>
    %slice3A_41 = vector.extract_strided_slice %reshape3A {offsets = [0, 0], sizes = [8192, 64], strides = [1, 1]} : vector<8192x128xf32> to vector<8192x64xf32>
    %slice3A_42 = vector.extract_strided_slice %reshape3A {offsets = [0, 64], sizes = [8192, 64], strides = [1, 1]} : vector<8192x128xf32> to vector<8192x64xf32>
    %get3A_43 = arith.constant 0 : index
    %get3A_44 = arith.constant 0 : index
    %get3A_45 = arith.constant 0 : index
    %get3A_46 = vector.load %arg4[%get3A_43, %get3A_44, %get3A_45] : memref<16x512x4xf32, #tpu.memory_space<vmem>>, vector<16x512x4xf32>
    %reshape3A_47 = vector.shape_cast %get3A_46 : vector<16x512x4xf32> to vector<8192x4xf32>
    %concatenate3A = tpu.concatenate %slice3A, %slice3A, %slice3A, %slice3A, %slice3A, %slice3A, %slice3A, %slice3A, %slice3A, %slice3A, %slice3A, %slice3A, %slice3A, %slice3A, %slice3A, %slice3A in 0 : vector<512x3xf32>, vector<512x3xf32>, vector<512x3xf32>, vector<512x3xf32>, vector<512x3xf32>, vector<512x3xf32>, vector<512x3xf32>, vector<512x3xf32>, vector<512x3xf32>, vector<512x3xf32>, vector<512x3xf32>, vector<512x3xf32>, vector<512x3xf32>, vector<512x3xf32>, vector<512x3xf32>, vector<512x3xf32> -> vector<8192x3xf32>
    %concatenate3A_48 = tpu.concatenate %dot_general3A_19, %dot_general3A_19, %dot_general3A_19, %dot_general3A_19, %dot_general3A_19, %dot_general3A_19, %dot_general3A_19, %dot_general3A_19, %dot_general3A_19, %dot_general3A_19, %dot_general3A_19, %dot_general3A_19, %dot_general3A_19, %dot_general3A_19, %dot_general3A_19, %dot_general3A_19 in 0 : vector<512x64xf32>, vector<512x64xf32>, vector<512x64xf32>, vector<512x64xf32>, vector<512x64xf32>, vector<512x64xf32>, vector<512x64xf32>, vector<512x64xf32>, vector<512x64xf32>, vector<512x64xf32>, vector<512x64xf32>, vector<512x64xf32>, vector<512x64xf32>, vector<512x64xf32>, vector<512x64xf32>, vector<512x64xf32> -> vector<8192x64xf32>
    %slice3A_49 = vector.extract_strided_slice %reshape3A_47 {offsets = [0, 0], sizes = [8192, 3], strides = [1, 1]} : vector<8192x4xf32> to vector<8192x3xf32>
    %sub3A = arith.subf %concatenate3A, %slice3A_49 : vector<8192x3xf32>
    %convert_element_type3A_50 = arith.truncf %sub3A : vector<8192x3xf32> to vector<8192x3xbf16>
    %convert_element_type3A_51 = arith.extf %convert_element_type3A_50 : vector<8192x3xbf16> to vector<8192x3xf32>
    %slice3A_52 = vector.extract_strided_slice %convert_element_type3A_51 {offsets = [0, 0], sizes = [8192, 1], strides = [1, 1]} : vector<8192x3xf32> to vector<8192x1xf32>
    %slice3A_53 = vector.extract_strided_slice %convert_element_type3A_33 {offsets = [0, 0], sizes = [1, 12], strides = [1, 1]} : vector<3x12xf32> to vector<1x12xf32>
    %mul3A = vector.broadcast %slice3A_52 : vector<8192x1xf32> to vector<8192x12xf32>
    %mul3A_54 = vector.broadcast %slice3A_53 : vector<1x12xf32> to vector<8192x12xf32>
    %mul3A_55 = arith.mulf %mul3A, %mul3A_54 : vector<8192x12xf32>
    %slice3A_56 = vector.extract_strided_slice %convert_element_type3A_51 {offsets = [0, 1], sizes = [8192, 1], strides = [1, 1]} : vector<8192x3xf32> to vector<8192x1xf32>
    %slice3A_57 = vector.extract_strided_slice %convert_element_type3A_33 {offsets = [1, 0], sizes = [1, 12], strides = [1, 1]} : vector<3x12xf32> to vector<1x12xf32>
    %mul3A_58 = vector.broadcast %slice3A_56 : vector<8192x1xf32> to vector<8192x12xf32>
    %mul3A_59 = vector.broadcast %slice3A_57 : vector<1x12xf32> to vector<8192x12xf32>
    %mul3A_60 = arith.mulf %mul3A_58, %mul3A_59 : vector<8192x12xf32>
    %add3A_61 = arith.addf %mul3A_55, %mul3A_60 : vector<8192x12xf32>
    %slice3A_62 = vector.extract_strided_slice %convert_element_type3A_51 {offsets = [0, 2], sizes = [8192, 1], strides = [1, 1]} : vector<8192x3xf32> to vector<8192x1xf32>
    %slice3A_63 = vector.extract_strided_slice %convert_element_type3A_33 {offsets = [2, 0], sizes = [1, 12], strides = [1, 1]} : vector<3x12xf32> to vector<1x12xf32>
    %mul3A_64 = vector.broadcast %slice3A_62 : vector<8192x1xf32> to vector<8192x12xf32>
    %mul3A_65 = vector.broadcast %slice3A_63 : vector<1x12xf32> to vector<8192x12xf32>
    %mul3A_66 = arith.mulf %mul3A_64, %mul3A_65 : vector<8192x12xf32>
    %add3A_67 = arith.addf %add3A_61, %mul3A_66 : vector<8192x12xf32>
    %get3A_68 = arith.constant 0 : index
    %get3A_69 = arith.constant 0 : index
    %get3A_70 = vector.load %arg7[%get3A_68, %get3A_69] : memref<1x12xf32, #tpu.memory_space<vmem>>, vector<1x12xf32>
    %add3A_71 = vector.broadcast %get3A_70 : vector<1x12xf32> to vector<8192x12xf32>
    %add3A_72 = arith.addf %add3A_67, %add3A_71 : vector<8192x12xf32>
    %dot_general3A_73 = arith.constant dense<0.000000e+00> : vector<8192x12xf32>
    %dot_general3A_74 = tpu.matmul %add3A_72, %broadcast_in_dim3A_34, %dot_general3A_73 {dimension_numbers = #tpu.dot_dimension_numbers<[1], [0], [0], [1], [0, 0, 1, 1], [], []>, transpose_lhs_hint = false} : vector<8192x12xf32>, vector<12x12xf32>, vector<8192x12xf32> -> vector<8192x12xf32>
    %sub3A_75 = arith.subf %add3A_72, %dot_general3A_74 : vector<8192x12xf32>
    %mul3A_76 = arith.mulf %sub3A_75, %sub3A_75 : vector<8192x12xf32>
    %dot_general3A_77 = arith.constant dense<0.000000e+00> : vector<8192x12xf32>
    %dot_general3A_78 = tpu.matmul %mul3A_76, %broadcast_in_dim3A_34, %dot_general3A_77 {dimension_numbers = #tpu.dot_dimension_numbers<[1], [0], [0], [1], [0, 0, 1, 1], [], []>, transpose_lhs_hint = false} : vector<8192x12xf32>, vector<12x12xf32>, vector<8192x12xf32> -> vector<8192x12xf32>
    %add3A_79 = arith.constant 9.99999974E-6 : f32
    %add3A_80 = vector.broadcast %add3A_79 : f32 to vector<8192x12xf32>
    %add3A_81 = arith.addf %dot_general3A_78, %add3A_80 : vector<8192x12xf32>
    %rsqrt3A = math.rsqrt %add3A_81 : vector<8192x12xf32>
    %mul3A_82 = arith.mulf %sub3A_75, %rsqrt3A : vector<8192x12xf32>
    %get3A_83 = arith.constant 0 : index
    %get3A_84 = arith.constant 0 : index
    %get3A_85 = vector.load %arg8[%get3A_83, %get3A_84] : memref<1x12xf32, #tpu.memory_space<vmem>>, vector<1x12xf32>
    %mul3A_86 = vector.broadcast %get3A_85 : vector<1x12xf32> to vector<8192x12xf32>
    %mul3A_87 = arith.mulf %mul3A_82, %mul3A_86 : vector<8192x12xf32>
    %get3A_88 = arith.constant 0 : index
    %get3A_89 = arith.constant 0 : index
    %get3A_90 = vector.load %arg9[%get3A_88, %get3A_89] : memref<1x12xf32, #tpu.memory_space<vmem>>, vector<1x12xf32>
    %add3A_91 = vector.broadcast %get3A_90 : vector<1x12xf32> to vector<8192x12xf32>
    %add3A_92 = arith.addf %mul3A_87, %add3A_91 : vector<8192x12xf32>
    %max3A = arith.constant 0.000000e+00 : f32
    %max3A_93 = vector.broadcast %max3A : f32 to vector<8192x12xf32>
    %max3A_94 = arith.maximumf %add3A_92, %max3A_93 : vector<8192x12xf32>
    %dot_general3A_95 = arith.constant dense<0.000000e+00> : vector<8192x64xf32>
    %dot_general3A_96 = tpu.matmul %max3A_94, %get3A_13, %dot_general3A_95 {dimension_numbers = #tpu.dot_dimension_numbers<[1], [0], [0], [1], [0, 0, 1, 1], [], []>, transpose_lhs_hint = false} : vector<8192x12xf32>, vector<12x64xf32>, vector<8192x64xf32> -> vector<8192x64xf32>
    %get3A_97 = arith.constant 0 : index
    %get3A_98 = arith.constant 0 : index
    %get3A_99 = vector.load %arg11[%get3A_97, %get3A_98] : memref<1x64xf32, #tpu.memory_space<vmem>>, vector<1x64xf32>
    %add3A_100 = vector.broadcast %get3A_99 : vector<1x64xf32> to vector<8192x64xf32>
    %add3A_101 = arith.addf %dot_general3A_96, %add3A_100 : vector<8192x64xf32>
    %sub3A_102 = arith.subf %concatenate3A_48, %slice3A_41 : vector<8192x64xf32>
    %dot_general3A_103 = arith.constant dense<0.000000e+00> : vector<8192x64xf32>
    %dot_general3A_104 = tpu.matmul %max3A_94, %dot_general3A_21, %dot_general3A_103 {dimension_numbers = #tpu.dot_dimension_numbers<[1], [0], [0], [1], [0, 0, 1, 1], [], []>, transpose_lhs_hint = false} : vector<8192x12xf32>, vector<12x64xf32>, vector<8192x64xf32> -> vector<8192x64xf32>
    %add3A_105 = arith.addf %sub3A_102, %dot_general3A_104 : vector<8192x64xf32>
    %add3A_106 = vector.broadcast %add3A : vector<1x64xf32> to vector<8192x64xf32>
    %add3A_107 = arith.addf %add3A_105, %add3A_106 : vector<8192x64xf32>
    %dot_general3A_108 = arith.constant dense<0.000000e+00> : vector<8192x64xf32>
    %dot_general3A_109 = tpu.matmul %add3A_107, %broadcast_in_dim3A_36, %dot_general3A_108 {dimension_numbers = #tpu.dot_dimension_numbers<[1], [0], [0], [1], [0, 0, 1, 1], [], []>, transpose_lhs_hint = false} : vector<8192x64xf32>, vector<64x64xf32>, vector<8192x64xf32> -> vector<8192x64xf32>
    %sub3A_110 = arith.subf %add3A_107, %dot_general3A_109 : vector<8192x64xf32>
    %mul3A_111 = arith.mulf %sub3A_110, %sub3A_110 : vector<8192x64xf32>
    %dot_general3A_112 = arith.constant dense<0.000000e+00> : vector<8192x64xf32>
    %dot_general3A_113 = tpu.matmul %mul3A_111, %broadcast_in_dim3A_36, %dot_general3A_112 {dimension_numbers = #tpu.dot_dimension_numbers<[1], [0], [0], [1], [0, 0, 1, 1], [], []>, transpose_lhs_hint = false} : vector<8192x64xf32>, vector<64x64xf32>, vector<8192x64xf32> -> vector<8192x64xf32>
    %add3A_114 = arith.constant 9.99999974E-6 : f32
    %add3A_115 = vector.broadcast %add3A_114 : f32 to vector<8192x64xf32>
    %add3A_116 = arith.addf %dot_general3A_113, %add3A_115 : vector<8192x64xf32>
    %rsqrt3A_117 = math.rsqrt %add3A_116 : vector<8192x64xf32>
    %mul3A_118 = arith.mulf %sub3A_110, %rsqrt3A_117 : vector<8192x64xf32>
    %get3A_119 = arith.constant 0 : index
    %get3A_120 = arith.constant 0 : index
    %get3A_121 = vector.load %arg14[%get3A_119, %get3A_120] : memref<1x64xf32, #tpu.memory_space<vmem>>, vector<1x64xf32>
    %mul3A_122 = vector.broadcast %get3A_121 : vector<1x64xf32> to vector<8192x64xf32>
    %mul3A_123 = arith.mulf %mul3A_118, %mul3A_122 : vector<8192x64xf32>
    %get3A_124 = arith.constant 0 : index
    %get3A_125 = arith.constant 0 : index
    %get3A_126 = vector.load %arg15[%get3A_124, %get3A_125] : memref<1x64xf32, #tpu.memory_space<vmem>>, vector<1x64xf32>
    %add3A_127 = vector.broadcast %get3A_126 : vector<1x64xf32> to vector<8192x64xf32>
    %add3A_128 = arith.addf %mul3A_123, %add3A_127 : vector<8192x64xf32>
    %max3A_129 = arith.constant 0.000000e+00 : f32
    %max3A_130 = vector.broadcast %max3A_129 : f32 to vector<8192x64xf32>
    %max3A_131 = arith.maximumf %add3A_128, %max3A_130 : vector<8192x64xf32>
    %dot_general3A_132 = arith.constant dense<0.000000e+00> : vector<8192x64xf32>
    %dot_general3A_133 = tpu.matmul %max3A_131, %get3A_10, %dot_general3A_132 {dimension_numbers = #tpu.dot_dimension_numbers<[1], [0], [0], [1], [0, 0, 1, 1], [], []>, transpose_lhs_hint = false} : vector<8192x64xf32>, vector<64x64xf32>, vector<8192x64xf32> -> vector<8192x64xf32>
    %add3A_134 = arith.addf %slice3A_42, %add3A_101 : vector<8192x64xf32>
    %reshape3A_135 = vector.shape_cast %dot_general3A_133 : vector<8192x64xf32> to vector<16x512x64xf32>
    %reshape3A_136 = vector.shape_cast %add3A_134 : vector<8192x64xf32> to vector<16x512x64xf32>
    %slice3A_137 = vector.extract_strided_slice %reshape3A_135 {offsets = [0, 0, 0], sizes = [1, 512, 64], strides = [1, 1, 1]} : vector<16x512x64xf32> to vector<1x512x64xf32>
    %squeeze3A = vector.shape_cast %slice3A_137 : vector<1x512x64xf32> to vector<512x64xf32>
    %slice3A_138 = vector.extract_strided_slice %reshape3A_135 {offsets = [1, 0, 0], sizes = [1, 512, 64], strides = [1, 1, 1]} : vector<16x512x64xf32> to vector<1x512x64xf32>
    %squeeze3A_139 = vector.shape_cast %slice3A_138 : vector<1x512x64xf32> to vector<512x64xf32>
    %max3A_140 = arith.maximumf %squeeze3A, %squeeze3A_139 : vector<512x64xf32>
    %slice3A_141 = vector.extract_strided_slice %reshape3A_135 {offsets = [2, 0, 0], sizes = [1, 512, 64], strides = [1, 1, 1]} : vector<16x512x64xf32> to vector<1x512x64xf32>
    %squeeze3A_142 = vector.shape_cast %slice3A_141 : vector<1x512x64xf32> to vector<512x64xf32>
    %max3A_143 = arith.maximumf %max3A_140, %squeeze3A_142 : vector<512x64xf32>
    %slice3A_144 = vector.extract_strided_slice %reshape3A_135 {offsets = [3, 0, 0], sizes = [1, 512, 64], strides = [1, 1, 1]} : vector<16x512x64xf32> to vector<1x512x64xf32>
    %squeeze3A_145 = vector.shape_cast %slice3A_144 : vector<1x512x64xf32> to vector<512x64xf32>
    %max3A_146 = arith.maximumf %max3A_143, %squeeze3A_145 : vector<512x64xf32>
    %slice3A_147 = vector.extract_strided_slice %reshape3A_135 {offsets = [4, 0, 0], sizes = [1, 512, 64], strides = [1, 1, 1]} : vector<16x512x64xf32> to vector<1x512x64xf32>
    %squeeze3A_148 = vector.shape_cast %slice3A_147 : vector<1x512x64xf32> to vector<512x64xf32>
    %max3A_149 = arith.maximumf %max3A_146, %squeeze3A_148 : vector<512x64xf32>
    %slice3A_150 = vector.extract_strided_slice %reshape3A_135 {offsets = [5, 0, 0], sizes = [1, 512, 64], strides = [1, 1, 1]} : vector<16x512x64xf32> to vector<1x512x64xf32>
    %squeeze3A_151 = vector.shape_cast %slice3A_150 : vector<1x512x64xf32> to vector<512x64xf32>
    %max3A_152 = arith.maximumf %max3A_149, %squeeze3A_151 : vector<512x64xf32>
    %slice3A_153 = vector.extract_strided_slice %reshape3A_135 {offsets = [6, 0, 0], sizes = [1, 512, 64], strides = [1, 1, 1]} : vector<16x512x64xf32> to vector<1x512x64xf32>
    %squeeze3A_154 = vector.shape_cast %slice3A_153 : vector<1x512x64xf32> to vector<512x64xf32>
    %max3A_155 = arith.maximumf %max3A_152, %squeeze3A_154 : vector<512x64xf32>
    %slice3A_156 = vector.extract_strided_slice %reshape3A_135 {offsets = [7, 0, 0], sizes = [1, 512, 64], strides = [1, 1, 1]} : vector<16x512x64xf32> to vector<1x512x64xf32>
    %squeeze3A_157 = vector.shape_cast %slice3A_156 : vector<1x512x64xf32> to vector<512x64xf32>
    %max3A_158 = arith.maximumf %max3A_155, %squeeze3A_157 : vector<512x64xf32>
    %slice3A_159 = vector.extract_strided_slice %reshape3A_135 {offsets = [8, 0, 0], sizes = [1, 512, 64], strides = [1, 1, 1]} : vector<16x512x64xf32> to vector<1x512x64xf32>
    %squeeze3A_160 = vector.shape_cast %slice3A_159 : vector<1x512x64xf32> to vector<512x64xf32>
    %max3A_161 = arith.maximumf %max3A_158, %squeeze3A_160 : vector<512x64xf32>
    %slice3A_162 = vector.extract_strided_slice %reshape3A_135 {offsets = [9, 0, 0], sizes = [1, 512, 64], strides = [1, 1, 1]} : vector<16x512x64xf32> to vector<1x512x64xf32>
    %squeeze3A_163 = vector.shape_cast %slice3A_162 : vector<1x512x64xf32> to vector<512x64xf32>
    %max3A_164 = arith.maximumf %max3A_161, %squeeze3A_163 : vector<512x64xf32>
    %slice3A_165 = vector.extract_strided_slice %reshape3A_135 {offsets = [10, 0, 0], sizes = [1, 512, 64], strides = [1, 1, 1]} : vector<16x512x64xf32> to vector<1x512x64xf32>
    %squeeze3A_166 = vector.shape_cast %slice3A_165 : vector<1x512x64xf32> to vector<512x64xf32>
    %max3A_167 = arith.maximumf %max3A_164, %squeeze3A_166 : vector<512x64xf32>
    %slice3A_168 = vector.extract_strided_slice %reshape3A_135 {offsets = [11, 0, 0], sizes = [1, 512, 64], strides = [1, 1, 1]} : vector<16x512x64xf32> to vector<1x512x64xf32>
    %squeeze3A_169 = vector.shape_cast %slice3A_168 : vector<1x512x64xf32> to vector<512x64xf32>
    %max3A_170 = arith.maximumf %max3A_167, %squeeze3A_169 : vector<512x64xf32>
    %slice3A_171 = vector.extract_strided_slice %reshape3A_135 {offsets = [12, 0, 0], sizes = [1, 512, 64], strides = [1, 1, 1]} : vector<16x512x64xf32> to vector<1x512x64xf32>
    %squeeze3A_172 = vector.shape_cast %slice3A_171 : vector<1x512x64xf32> to vector<512x64xf32>
    %max3A_173 = arith.maximumf %max3A_170, %squeeze3A_172 : vector<512x64xf32>
    %slice3A_174 = vector.extract_strided_slice %reshape3A_135 {offsets = [13, 0, 0], sizes = [1, 512, 64], strides = [1, 1, 1]} : vector<16x512x64xf32> to vector<1x512x64xf32>
    %squeeze3A_175 = vector.shape_cast %slice3A_174 : vector<1x512x64xf32> to vector<512x64xf32>
    %max3A_176 = arith.maximumf %max3A_173, %squeeze3A_175 : vector<512x64xf32>
    %slice3A_177 = vector.extract_strided_slice %reshape3A_135 {offsets = [14, 0, 0], sizes = [1, 512, 64], strides = [1, 1, 1]} : vector<16x512x64xf32> to vector<1x512x64xf32>
    %squeeze3A_178 = vector.shape_cast %slice3A_177 : vector<1x512x64xf32> to vector<512x64xf32>
    %max3A_179 = arith.maximumf %max3A_176, %squeeze3A_178 : vector<512x64xf32>
    %slice3A_180 = vector.extract_strided_slice %reshape3A_135 {offsets = [15, 0, 0], sizes = [1, 512, 64], strides = [1, 1, 1]} : vector<16x512x64xf32> to vector<1x512x64xf32>
    %squeeze3A_181 = vector.shape_cast %slice3A_180 : vector<1x512x64xf32> to vector<512x64xf32>
    %max3A_182 = arith.maximumf %max3A_179, %squeeze3A_181 : vector<512x64xf32>
    %slice3A_183 = vector.extract_strided_slice %reshape3A_135 {offsets = [0, 0, 0], sizes = [1, 512, 64], strides = [1, 1, 1]} : vector<16x512x64xf32> to vector<1x512x64xf32>
    %squeeze3A_184 = vector.shape_cast %slice3A_183 : vector<1x512x64xf32> to vector<512x64xf32>
    %sub3A_185 = arith.subf %squeeze3A_184, %max3A_182 : vector<512x64xf32>
    %exp3A = math.exp %sub3A_185 : vector<512x64xf32>
    %slice3A_186 = vector.extract_strided_slice %reshape3A_136 {offsets = [0, 0, 0], sizes = [1, 512, 64], strides = [1, 1, 1]} : vector<16x512x64xf32> to vector<1x512x64xf32>
    %squeeze3A_187 = vector.shape_cast %slice3A_186 : vector<1x512x64xf32> to vector<512x64xf32>
    %mul3A_188 = arith.mulf %exp3A, %squeeze3A_187 : vector<512x64xf32>
    %slice3A_189 = vector.extract_strided_slice %reshape3A_135 {offsets = [1, 0, 0], sizes = [1, 512, 64], strides = [1, 1, 1]} : vector<16x512x64xf32> to vector<1x512x64xf32>
    %squeeze3A_190 = vector.shape_cast %slice3A_189 : vector<1x512x64xf32> to vector<512x64xf32>
    %sub3A_191 = arith.subf %squeeze3A_190, %max3A_182 : vector<512x64xf32>
    %exp3A_192 = math.exp %sub3A_191 : vector<512x64xf32>
    %add3A_193 = arith.addf %exp3A, %exp3A_192 : vector<512x64xf32>
    %slice3A_194 = vector.extract_strided_slice %reshape3A_136 {offsets = [1, 0, 0], sizes = [1, 512, 64], strides = [1, 1, 1]} : vector<16x512x64xf32> to vector<1x512x64xf32>
    %squeeze3A_195 = vector.shape_cast %slice3A_194 : vector<1x512x64xf32> to vector<512x64xf32>
    %mul3A_196 = arith.mulf %exp3A_192, %squeeze3A_195 : vector<512x64xf32>
    %add3A_197 = arith.addf %mul3A_188, %mul3A_196 : vector<512x64xf32>
    %slice3A_198 = vector.extract_strided_slice %reshape3A_135 {offsets = [2, 0, 0], sizes = [1, 512, 64], strides = [1, 1, 1]} : vector<16x512x64xf32> to vector<1x512x64xf32>
    %squeeze3A_199 = vector.shape_cast %slice3A_198 : vector<1x512x64xf32> to vector<512x64xf32>
    %sub3A_200 = arith.subf %squeeze3A_199, %max3A_182 : vector<512x64xf32>
    %exp3A_201 = math.exp %sub3A_200 : vector<512x64xf32>
    %add3A_202 = arith.addf %add3A_193, %exp3A_201 : vector<512x64xf32>
    %slice3A_203 = vector.extract_strided_slice %reshape3A_136 {offsets = [2, 0, 0], sizes = [1, 512, 64], strides = [1, 1, 1]} : vector<16x512x64xf32> to vector<1x512x64xf32>
    %squeeze3A_204 = vector.shape_cast %slice3A_203 : vector<1x512x64xf32> to vector<512x64xf32>
    %mul3A_205 = arith.mulf %exp3A_201, %squeeze3A_204 : vector<512x64xf32>
    %add3A_206 = arith.addf %add3A_197, %mul3A_205 : vector<512x64xf32>
    %slice3A_207 = vector.extract_strided_slice %reshape3A_135 {offsets = [3, 0, 0], sizes = [1, 512, 64], strides = [1, 1, 1]} : vector<16x512x64xf32> to vector<1x512x64xf32>
    %squeeze3A_208 = vector.shape_cast %slice3A_207 : vector<1x512x64xf32> to vector<512x64xf32>
    %sub3A_209 = arith.subf %squeeze3A_208, %max3A_182 : vector<512x64xf32>
    %exp3A_210 = math.exp %sub3A_209 : vector<512x64xf32>
    %add3A_211 = arith.addf %add3A_202, %exp3A_210 : vector<512x64xf32>
    %slice3A_212 = vector.extract_strided_slice %reshape3A_136 {offsets = [3, 0, 0], sizes = [1, 512, 64], strides = [1, 1, 1]} : vector<16x512x64xf32> to vector<1x512x64xf32>
    %squeeze3A_213 = vector.shape_cast %slice3A_212 : vector<1x512x64xf32> to vector<512x64xf32>
    %mul3A_214 = arith.mulf %exp3A_210, %squeeze3A_213 : vector<512x64xf32>
    %add3A_215 = arith.addf %add3A_206, %mul3A_214 : vector<512x64xf32>
    %slice3A_216 = vector.extract_strided_slice %reshape3A_135 {offsets = [4, 0, 0], sizes = [1, 512, 64], strides = [1, 1, 1]} : vector<16x512x64xf32> to vector<1x512x64xf32>
    %squeeze3A_217 = vector.shape_cast %slice3A_216 : vector<1x512x64xf32> to vector<512x64xf32>
    %sub3A_218 = arith.subf %squeeze3A_217, %max3A_182 : vector<512x64xf32>
    %exp3A_219 = math.exp %sub3A_218 : vector<512x64xf32>
    %add3A_220 = arith.addf %add3A_211, %exp3A_219 : vector<512x64xf32>
    %slice3A_221 = vector.extract_strided_slice %reshape3A_136 {offsets = [4, 0, 0], sizes = [1, 512, 64], strides = [1, 1, 1]} : vector<16x512x64xf32> to vector<1x512x64xf32>
    %squeeze3A_222 = vector.shape_cast %slice3A_221 : vector<1x512x64xf32> to vector<512x64xf32>
    %mul3A_223 = arith.mulf %exp3A_219, %squeeze3A_222 : vector<512x64xf32>
    %add3A_224 = arith.addf %add3A_215, %mul3A_223 : vector<512x64xf32>
    %slice3A_225 = vector.extract_strided_slice %reshape3A_135 {offsets = [5, 0, 0], sizes = [1, 512, 64], strides = [1, 1, 1]} : vector<16x512x64xf32> to vector<1x512x64xf32>
    %squeeze3A_226 = vector.shape_cast %slice3A_225 : vector<1x512x64xf32> to vector<512x64xf32>
    %sub3A_227 = arith.subf %squeeze3A_226, %max3A_182 : vector<512x64xf32>
    %exp3A_228 = math.exp %sub3A_227 : vector<512x64xf32>
    %add3A_229 = arith.addf %add3A_220, %exp3A_228 : vector<512x64xf32>
    %slice3A_230 = vector.extract_strided_slice %reshape3A_136 {offsets = [5, 0, 0], sizes = [1, 512, 64], strides = [1, 1, 1]} : vector<16x512x64xf32> to vector<1x512x64xf32>
    %squeeze3A_231 = vector.shape_cast %slice3A_230 : vector<1x512x64xf32> to vector<512x64xf32>
    %mul3A_232 = arith.mulf %exp3A_228, %squeeze3A_231 : vector<512x64xf32>
    %add3A_233 = arith.addf %add3A_224, %mul3A_232 : vector<512x64xf32>
    %slice3A_234 = vector.extract_strided_slice %reshape3A_135 {offsets = [6, 0, 0], sizes = [1, 512, 64], strides = [1, 1, 1]} : vector<16x512x64xf32> to vector<1x512x64xf32>
    %squeeze3A_235 = vector.shape_cast %slice3A_234 : vector<1x512x64xf32> to vector<512x64xf32>
    %sub3A_236 = arith.subf %squeeze3A_235, %max3A_182 : vector<512x64xf32>
    %exp3A_237 = math.exp %sub3A_236 : vector<512x64xf32>
    %add3A_238 = arith.addf %add3A_229, %exp3A_237 : vector<512x64xf32>
    %slice3A_239 = vector.extract_strided_slice %reshape3A_136 {offsets = [6, 0, 0], sizes = [1, 512, 64], strides = [1, 1, 1]} : vector<16x512x64xf32> to vector<1x512x64xf32>
    %squeeze3A_240 = vector.shape_cast %slice3A_239 : vector<1x512x64xf32> to vector<512x64xf32>
    %mul3A_241 = arith.mulf %exp3A_237, %squeeze3A_240 : vector<512x64xf32>
    %add3A_242 = arith.addf %add3A_233, %mul3A_241 : vector<512x64xf32>
    %slice3A_243 = vector.extract_strided_slice %reshape3A_135 {offsets = [7, 0, 0], sizes = [1, 512, 64], strides = [1, 1, 1]} : vector<16x512x64xf32> to vector<1x512x64xf32>
    %squeeze3A_244 = vector.shape_cast %slice3A_243 : vector<1x512x64xf32> to vector<512x64xf32>
    %sub3A_245 = arith.subf %squeeze3A_244, %max3A_182 : vector<512x64xf32>
    %exp3A_246 = math.exp %sub3A_245 : vector<512x64xf32>
    %add3A_247 = arith.addf %add3A_238, %exp3A_246 : vector<512x64xf32>
    %slice3A_248 = vector.extract_strided_slice %reshape3A_136 {offsets = [7, 0, 0], sizes = [1, 512, 64], strides = [1, 1, 1]} : vector<16x512x64xf32> to vector<1x512x64xf32>
    %squeeze3A_249 = vector.shape_cast %slice3A_248 : vector<1x512x64xf32> to vector<512x64xf32>
    %mul3A_250 = arith.mulf %exp3A_246, %squeeze3A_249 : vector<512x64xf32>
    %add3A_251 = arith.addf %add3A_242, %mul3A_250 : vector<512x64xf32>
    %slice3A_252 = vector.extract_strided_slice %reshape3A_135 {offsets = [8, 0, 0], sizes = [1, 512, 64], strides = [1, 1, 1]} : vector<16x512x64xf32> to vector<1x512x64xf32>
    %squeeze3A_253 = vector.shape_cast %slice3A_252 : vector<1x512x64xf32> to vector<512x64xf32>
    %sub3A_254 = arith.subf %squeeze3A_253, %max3A_182 : vector<512x64xf32>
    %exp3A_255 = math.exp %sub3A_254 : vector<512x64xf32>
    %add3A_256 = arith.addf %add3A_247, %exp3A_255 : vector<512x64xf32>
    %slice3A_257 = vector.extract_strided_slice %reshape3A_136 {offsets = [8, 0, 0], sizes = [1, 512, 64], strides = [1, 1, 1]} : vector<16x512x64xf32> to vector<1x512x64xf32>
    %squeeze3A_258 = vector.shape_cast %slice3A_257 : vector<1x512x64xf32> to vector<512x64xf32>
    %mul3A_259 = arith.mulf %exp3A_255, %squeeze3A_258 : vector<512x64xf32>
    %add3A_260 = arith.addf %add3A_251, %mul3A_259 : vector<512x64xf32>
    %slice3A_261 = vector.extract_strided_slice %reshape3A_135 {offsets = [9, 0, 0], sizes = [1, 512, 64], strides = [1, 1, 1]} : vector<16x512x64xf32> to vector<1x512x64xf32>
    %squeeze3A_262 = vector.shape_cast %slice3A_261 : vector<1x512x64xf32> to vector<512x64xf32>
    %sub3A_263 = arith.subf %squeeze3A_262, %max3A_182 : vector<512x64xf32>
    %exp3A_264 = math.exp %sub3A_263 : vector<512x64xf32>
    %add3A_265 = arith.addf %add3A_256, %exp3A_264 : vector<512x64xf32>
    %slice3A_266 = vector.extract_strided_slice %reshape3A_136 {offsets = [9, 0, 0], sizes = [1, 512, 64], strides = [1, 1, 1]} : vector<16x512x64xf32> to vector<1x512x64xf32>
    %squeeze3A_267 = vector.shape_cast %slice3A_266 : vector<1x512x64xf32> to vector<512x64xf32>
    %mul3A_268 = arith.mulf %exp3A_264, %squeeze3A_267 : vector<512x64xf32>
    %add3A_269 = arith.addf %add3A_260, %mul3A_268 : vector<512x64xf32>
    %slice3A_270 = vector.extract_strided_slice %reshape3A_135 {offsets = [10, 0, 0], sizes = [1, 512, 64], strides = [1, 1, 1]} : vector<16x512x64xf32> to vector<1x512x64xf32>
    %squeeze3A_271 = vector.shape_cast %slice3A_270 : vector<1x512x64xf32> to vector<512x64xf32>
    %sub3A_272 = arith.subf %squeeze3A_271, %max3A_182 : vector<512x64xf32>
    %exp3A_273 = math.exp %sub3A_272 : vector<512x64xf32>
    %add3A_274 = arith.addf %add3A_265, %exp3A_273 : vector<512x64xf32>
    %slice3A_275 = vector.extract_strided_slice %reshape3A_136 {offsets = [10, 0, 0], sizes = [1, 512, 64], strides = [1, 1, 1]} : vector<16x512x64xf32> to vector<1x512x64xf32>
    %squeeze3A_276 = vector.shape_cast %slice3A_275 : vector<1x512x64xf32> to vector<512x64xf32>
    %mul3A_277 = arith.mulf %exp3A_273, %squeeze3A_276 : vector<512x64xf32>
    %add3A_278 = arith.addf %add3A_269, %mul3A_277 : vector<512x64xf32>
    %slice3A_279 = vector.extract_strided_slice %reshape3A_135 {offsets = [11, 0, 0], sizes = [1, 512, 64], strides = [1, 1, 1]} : vector<16x512x64xf32> to vector<1x512x64xf32>
    %squeeze3A_280 = vector.shape_cast %slice3A_279 : vector<1x512x64xf32> to vector<512x64xf32>
    %sub3A_281 = arith.subf %squeeze3A_280, %max3A_182 : vector<512x64xf32>
    %exp3A_282 = math.exp %sub3A_281 : vector<512x64xf32>
    %add3A_283 = arith.addf %add3A_274, %exp3A_282 : vector<512x64xf32>
    %slice3A_284 = vector.extract_strided_slice %reshape3A_136 {offsets = [11, 0, 0], sizes = [1, 512, 64], strides = [1, 1, 1]} : vector<16x512x64xf32> to vector<1x512x64xf32>
    %squeeze3A_285 = vector.shape_cast %slice3A_284 : vector<1x512x64xf32> to vector<512x64xf32>
    %mul3A_286 = arith.mulf %exp3A_282, %squeeze3A_285 : vector<512x64xf32>
    %add3A_287 = arith.addf %add3A_278, %mul3A_286 : vector<512x64xf32>
    %slice3A_288 = vector.extract_strided_slice %reshape3A_135 {offsets = [12, 0, 0], sizes = [1, 512, 64], strides = [1, 1, 1]} : vector<16x512x64xf32> to vector<1x512x64xf32>
    %squeeze3A_289 = vector.shape_cast %slice3A_288 : vector<1x512x64xf32> to vector<512x64xf32>
    %sub3A_290 = arith.subf %squeeze3A_289, %max3A_182 : vector<512x64xf32>
    %exp3A_291 = math.exp %sub3A_290 : vector<512x64xf32>
    %add3A_292 = arith.addf %add3A_283, %exp3A_291 : vector<512x64xf32>
    %slice3A_293 = vector.extract_strided_slice %reshape3A_136 {offsets = [12, 0, 0], sizes = [1, 512, 64], strides = [1, 1, 1]} : vector<16x512x64xf32> to vector<1x512x64xf32>
    %squeeze3A_294 = vector.shape_cast %slice3A_293 : vector<1x512x64xf32> to vector<512x64xf32>
    %mul3A_295 = arith.mulf %exp3A_291, %squeeze3A_294 : vector<512x64xf32>
    %add3A_296 = arith.addf %add3A_287, %mul3A_295 : vector<512x64xf32>
    %slice3A_297 = vector.extract_strided_slice %reshape3A_135 {offsets = [13, 0, 0], sizes = [1, 512, 64], strides = [1, 1, 1]} : vector<16x512x64xf32> to vector<1x512x64xf32>
    %squeeze3A_298 = vector.shape_cast %slice3A_297 : vector<1x512x64xf32> to vector<512x64xf32>
    %sub3A_299 = arith.subf %squeeze3A_298, %max3A_182 : vector<512x64xf32>
    %exp3A_300 = math.exp %sub3A_299 : vector<512x64xf32>
    %add3A_301 = arith.addf %add3A_292, %exp3A_300 : vector<512x64xf32>
    %slice3A_302 = vector.extract_strided_slice %reshape3A_136 {offsets = [13, 0, 0], sizes = [1, 512, 64], strides = [1, 1, 1]} : vector<16x512x64xf32> to vector<1x512x64xf32>
    %squeeze3A_303 = vector.shape_cast %slice3A_302 : vector<1x512x64xf32> to vector<512x64xf32>
    %mul3A_304 = arith.mulf %exp3A_300, %squeeze3A_303 : vector<512x64xf32>
    %add3A_305 = arith.addf %add3A_296, %mul3A_304 : vector<512x64xf32>
    %slice3A_306 = vector.extract_strided_slice %reshape3A_135 {offsets = [14, 0, 0], sizes = [1, 512, 64], strides = [1, 1, 1]} : vector<16x512x64xf32> to vector<1x512x64xf32>
    %squeeze3A_307 = vector.shape_cast %slice3A_306 : vector<1x512x64xf32> to vector<512x64xf32>
    %sub3A_308 = arith.subf %squeeze3A_307, %max3A_182 : vector<512x64xf32>
    %exp3A_309 = math.exp %sub3A_308 : vector<512x64xf32>
    %add3A_310 = arith.addf %add3A_301, %exp3A_309 : vector<512x64xf32>
    %slice3A_311 = vector.extract_strided_slice %reshape3A_136 {offsets = [14, 0, 0], sizes = [1, 512, 64], strides = [1, 1, 1]} : vector<16x512x64xf32> to vector<1x512x64xf32>
    %squeeze3A_312 = vector.shape_cast %slice3A_311 : vector<1x512x64xf32> to vector<512x64xf32>
    %mul3A_313 = arith.mulf %exp3A_309, %squeeze3A_312 : vector<512x64xf32>
    %add3A_314 = arith.addf %add3A_305, %mul3A_313 : vector<512x64xf32>
    %slice3A_315 = vector.extract_strided_slice %reshape3A_135 {offsets = [15, 0, 0], sizes = [1, 512, 64], strides = [1, 1, 1]} : vector<16x512x64xf32> to vector<1x512x64xf32>
    %squeeze3A_316 = vector.shape_cast %slice3A_315 : vector<1x512x64xf32> to vector<512x64xf32>
    %sub3A_317 = arith.subf %squeeze3A_316, %max3A_182 : vector<512x64xf32>
    %exp3A_318 = math.exp %sub3A_317 : vector<512x64xf32>
    %add3A_319 = arith.addf %add3A_310, %exp3A_318 : vector<512x64xf32>
    %slice3A_320 = vector.extract_strided_slice %reshape3A_136 {offsets = [15, 0, 0], sizes = [1, 512, 64], strides = [1, 1, 1]} : vector<16x512x64xf32> to vector<1x512x64xf32>
    %squeeze3A_321 = vector.shape_cast %slice3A_320 : vector<1x512x64xf32> to vector<512x64xf32>
    %mul3A_322 = arith.mulf %exp3A_318, %squeeze3A_321 : vector<512x64xf32>
    %add3A_323 = arith.addf %add3A_314, %mul3A_322 : vector<512x64xf32>
    %div3A = arith.divf %add3A_323, %add3A_319 : vector<512x64xf32>
    %swap3A = arith.constant 0 : index
    %swap3A_324 = arith.constant 0 : index
    %swap3A_325 = vector.load %arg18[%swap3A, %swap3A_324] : memref<512x64xf32, #tpu.memory_space<vmem>>, vector<512x64xf32>
    tpu.vector_store %arg18[%swap3A, %swap3A_324], %div3A {strides = array<i32>} : memref<512x64xf32, #tpu.memory_space<vmem>>, vector<512x64xf32>,
    return
  }
  func.func @transform_0(%arg0: i32) -> (i32, i32) {
    %c0_i32 = arith.constant 0 : i32
    %c0_i32_0 = arith.constant 0 : i32
    return %arg0, %c0_i32 : i32, i32
  }
  func.func @transform_1(%arg0: i32) -> (i32, i32) {
    %c0_i32 = arith.constant 0 : i32
    %c0_i32_0 = arith.constant 0 : i32
    return %arg0, %c0_i32 : i32, i32
  }
  func.func @transform_2(%arg0: i32) -> (i32, i32, i32) {
    %c0_i32 = arith.constant 0 : i32
    %c0_i32_0 = arith.constant 0 : i32
    %c0_i32_1 = arith.constant 0 : i32
    return %c0_i32, %arg0, %c0_i32_0 : i32, i32, i32
  }
  func.func @transform_3(%arg0: i32) -> (i32, i32, i32) {
    %c0_i32 = arith.constant 0 : i32
    %c0_i32_0 = arith.constant 0 : i32
    %c0_i32_1 = arith.constant 0 : i32
    return %c0_i32, %arg0, %c0_i32_0 : i32, i32, i32
  }
  func.func @transform_4(%arg0: i32) -> (i32, i32) {
    %c0_i32 = arith.constant 0 : i32
    %c0_i32_0 = arith.constant 0 : i32
    %c0_i32_1 = arith.constant 0 : i32
    return %c0_i32, %c0_i32_0 : i32, i32
  }
  func.func @transform_5(%arg0: i32) -> (i32, i32) {
    %c0_i32 = arith.constant 0 : i32
    %c0_i32_0 = arith.constant 0 : i32
    %c0_i32_1 = arith.constant 0 : i32
    return %c0_i32, %c0_i32_0 : i32, i32
  }
  func.func @transform_6(%arg0: i32) -> (i32, i32) {
    %c0_i32 = arith.constant 0 : i32
    %c0_i32_0 = arith.constant 0 : i32
    %c0_i32_1 = arith.constant 0 : i32
    return %c0_i32, %c0_i32_0 : i32, i32
  }
  func.func @transform_7(%arg0: i32) -> (i32, i32) {
    %c0_i32 = arith.constant 0 : i32
    %c0_i32_0 = arith.constant 0 : i32
    %c0_i32_1 = arith.constant 0 : i32
    return %c0_i32, %c0_i32_0 : i32, i32
  }
  func.func @transform_8(%arg0: i32) -> (i32, i32) {
    %c0_i32 = arith.constant 0 : i32
    %c0_i32_0 = arith.constant 0 : i32
    %c0_i32_1 = arith.constant 0 : i32
    return %c0_i32, %c0_i32_0 : i32, i32
  }
  func.func @transform_9(%arg0: i32) -> (i32, i32) {
    %c0_i32 = arith.constant 0 : i32
    %c0_i32_0 = arith.constant 0 : i32
    %c0_i32_1 = arith.constant 0 : i32
    return %c0_i32, %c0_i32_0 : i32, i32
  }
  func.func @transform_10(%arg0: i32) -> (i32, i32) {
    %c0_i32 = arith.constant 0 : i32
    %c0_i32_0 = arith.constant 0 : i32
    %c0_i32_1 = arith.constant 0 : i32
    return %c0_i32, %c0_i32_0 : i32, i32
  }
  func.func @transform_11(%arg0: i32) -> (i32, i32) {
    %c0_i32 = arith.constant 0 : i32
    %c0_i32_0 = arith.constant 0 : i32
    %c0_i32_1 = arith.constant 0 : i32
    return %c0_i32, %c0_i32_0 : i32, i32
  }
  func.func @transform_12(%arg0: i32) -> (i32, i32) {
    %c0_i32 = arith.constant 0 : i32
    %c0_i32_0 = arith.constant 0 : i32
    %c0_i32_1 = arith.constant 0 : i32
    return %c0_i32, %c0_i32_0 : i32, i32
  }
  func.func @transform_13(%arg0: i32) -> (i32, i32) {
    %c0_i32 = arith.constant 0 : i32
    %c0_i32_0 = arith.constant 0 : i32
    %c0_i32_1 = arith.constant 0 : i32
    return %c0_i32, %c0_i32_0 : i32, i32
  }
  func.func @transform_14(%arg0: i32) -> (i32, i32) {
    %c0_i32 = arith.constant 0 : i32
    %c0_i32_0 = arith.constant 0 : i32
    %c0_i32_1 = arith.constant 0 : i32
    return %c0_i32, %c0_i32_0 : i32, i32
  }
  func.func @transform_15(%arg0: i32) -> (i32, i32) {
    %c0_i32 = arith.constant 0 : i32
    %c0_i32_0 = arith.constant 0 : i32
    %c0_i32_1 = arith.constant 0 : i32
    return %c0_i32, %c0_i32_0 : i32, i32
  }
  func.func @transform_16(%arg0: i32) -> (i32, i32) {
    %c0_i32 = arith.constant 0 : i32
    %c0_i32_0 = arith.constant 0 : i32
    %c0_i32_1 = arith.constant 0 : i32
    return %c0_i32, %c0_i32_0 : i32, i32
  }
  func.func @transform_17(%arg0: i32) -> (i32, i32) {
    %c0_i32 = arith.constant 0 : i32
    %c0_i32_0 = arith.constant 0 : i32
    return %arg0, %c0_i32 : i32, i32
  }
}

</mosaic_0001>

<sc_bundles>
// kernel: kernel.5.cloned.1.call-start
scs
__scs_entry_jumppad:
0x0: {  	(pc) =	sbr.rel $0x88, $3  }
0x1: {  	(tag) =	ssettag $0x0;
	lr =	simm.s32 $0x1  }
0x2: {  	[smem:$0x3F90] =	sst lr;
	_ =	strace $0xD0000000  }
0x3: {  	_ = 	snop  }
0x4: {  	_ = 	snop  }
0x5: {  	_ = 	snop  }
0x6: {  	_ = 	snop  }
0x7: {  	_ = 	snop  }
__scs_overlays_trampoline_lowered:
0x8: {  	[smem:$0x3F9F] =	sst s0  }
0x9: {  	[smem:$0x3FA0] =	sst s1  }
0xa: {  	[smem:$0x3FA1] =	sst s2  }
0xb: {  	[smem:$0x3FA2] =	sst s3  }
0xc: {  	[smem:$0x3FA3] =	sst s4  }
0xd: {  	[smem:$0x3FA4] =	sst s5  }
0xe: {  	[smem:$0x3FA5] =	sst s6  }
0xf: {  	[smem:$0x3FA6] =	sst s7  }
0x10: {  	[smem:$0x3FA7] =	sst s8  }
0x11: {  	[smem:$0x3FA8] =	sst s9;
	s0 =	simm.s32 @!p0 $0x0  }
0x12: {  	s1 =	sld [smem:$0x3F8E];
	s0 =	simm.s32 @p0 $0x1  }
0x13: {  	[smem:$0x3FA9] =	sst s0;
	s0 =	simm.s32 @!p1 $0x0  }
0x14: {  	s2 =	sld [smem:$0x3F8D];
	s0 =	simm.s32 @p1 $0x1  }
0x15: {  	[smem:$0x3FAA] =	sst s0;
	s0 =	simm.s32 @!p2 $0x0  }
0x16: {  	s3 =	sld [smem:$0x3FDB];
	s0 =	simm.s32 @p2 $0x1  }
0x17: {  	s4 =	simm.s32 $0x1BF5;
	[smem:$0x3FAC] =	sst s0  }
0x18: {  	s0 =	sld [smem:$0x3F8F];
	_ =	swait.ge [sflag:s4], $0x0  }
0x19: {  	s7 =	sld [smem:$0x3F90]  }
0x1a: {  	s8 =	sadd.s32 $0xFFFFE003, lr  }
0x1b: {  	s9 =	sadd.s32 $0xFFFFFEF7, lr;
	s5 =	simm.s32 $0xFFFFFFFF;
	p2 =	slt.u32 s8, $0xFFFFF086  }
0x1c: {  	p1 =	slt.u32 s9, $0xF7A;
	s5 =	simm.s32 @!p2 $0x0  }
0x1d: {  	s5 =	simm.s32 @p1 $0x1;
	p0 =	seq.s32 s7, s2  }
0x1e: {  	s7 =	smul.u32 @!p0 $0xF7A, s2;
	p2 =	seq.s32 @!p0 s5, $0x0  }
0x1f: {  	s9 =	smul.u32 $0xF7A, s1;
	s8 =	simm.s32 @!p0 $0x1BF5;
	p2 =	por !p2, p0  }
0x20: {  	[sflag:s8] =	ssyncset.s32 @!p0 $0xFFFFF086;
	s6 =	sadd.s32 @!p0 s3, s7;
	s7 =	simm.s32 @!p0 $0x108  }
0x21: {  	s3 =	sadd.s32 s3, s9;
	s6 =	sadd.s32 @!p0 $0x88, s6;
	s7 =	simm.s32 @p2 $0x1082  }
0x22: {  	[simem:s7], [sflag:s8] =	dma.local @!p0 [hbm:s6], $0xF7A  }
0x23: {  	s9 =	sor.u32 $0xD0000000, s2;
	s6 =	simm.s32 $0x108;
	_ =	swait.ge @!p0 [sflag:s8], $0x0  }
0x24: {  	s3 =	sadd.s32 $0x88, s3;
	s6 =	simm.s32 @!p1 $0x1082;
	[sflag:s4] =	ssyncset.s32 $0xFFFFF086  }
0x25: {  	[simem:s6], [sflag:s4] =	dma.local [hbm:s3], $0xF7A  }
0x26: {  	[smem:$0x3F90] =	sst s1;
	(tag) =	ssettag s2;
	_ =	strace s9  }
0x27: {  	s1 =	sld [smem:$0x3FA0]  }
0x28: {  	s2 =	sld [smem:$0x3FA1]  }
0x29: {  	s4 =	sld [smem:$0x3FA3]  }
0x2a: {  	p0 =	seq.s32 s5, $0x0;
	s5 =	sld [smem:$0x3FA4]  }
0x2b: {  	s6 =	sld [smem:$0x3FA5]  }
0x2c: {  	s7 =	sld [smem:$0x3FA6]  }
0x2d: {  	s3 =	simm.s32 $0x108;
	s8 =	sld [smem:$0x3FA7]  }
0x2e: {  	s3 =	simm.s32 @!p0 $0x1082;
	s9 =	sld [smem:$0x3FA8]  }
0x2f: {  	lr =	sadd.s32 s0, s3;
	s0 =	sld [smem:$0x3F9F]  }
0x30: {  	s3 =	sld [smem:$0x3FA2]  }
0x31: {  	[smem:$0x3FAB] =	sst s10  }
0x32: {  	s10 =	sld [smem:$0x3FA9];
	_ =	sdelay $0x3  }
0x33: {  	p0 =	seq.s32 s10, $0x1;
	s10 =	sld [smem:$0x3FAB];
	_ =	sdelay $0x3  }
0x34: {  	[smem:$0x3FAB] =	sst s10  }
0x35: {  	s10 =	sld [smem:$0x3FAA];
	_ =	sdelay $0x3  }
0x36: {  	p1 =	seq.s32 s10, $0x1;
	s10 =	sld [smem:$0x3FAB];
	_ =	sdelay $0x3  }
0x37: {  	[smem:$0x3FAB] =	sst s10  }
0x38: {  	s10 =	sld [smem:$0x3FAC]  }
0x39: {  	_ = 	snop;
	(pc) =	sbr.ind lr, $3  }
0x3a: {  	_ = 	snop  }
0x3b: {  	_ = 	snop  }
0x3c: {  	p2 =	seq.s32 s10, $0x1;
	s10 =	sld [smem:$0x3FAB]  }
0x3d: {  	_ =	shalt  }
0x3e: {  	_ =	shalt  }
0x3f: {  	_ =	shalt  }
0x40: {  	_ =	shalt  }
0x41: {  	_ =	shalt  }
0x42: {  	_ =	shalt  }
0x43: {  	_ =	shalt  }
0x44: {  	_ =	shalt  }
0x45: {  	_ =	shalt  }
0x46: {  	_ =	shalt  }
0x47: {  	_ =	shalt  }
0x48: {  	_ =	shalt  }
0x49: {  	_ =	shalt  }
0x4a: {  	_ =	shalt  }
0x4b: {  	_ =	shalt  }
0x4c: {  	_ =	shalt  }
0x4d: {  	_ =	shalt  }
0x4e: {  	_ =	shalt  }
0x4f: {  	_ =	shalt  }
0x50: {  	_ =	shalt  }
0x51: {  	_ =	shalt  }
0x52: {  	_ =	shalt  }
0x53: {  	_ =	shalt  }
0x54: {  	_ =	shalt  }
0x55: {  	_ =	shalt  }
0x56: {  	_ =	shalt  }
0x57: {  	_ =	shalt  }
0x58: {  	_ =	shalt  }
0x59: {  	_ =	shalt  }
0x5a: {  	_ =	shalt  }
0x5b: {  	_ =	shalt  }
0x5c: {  	_ =	shalt  }
0x5d: {  	_ =	shalt  }
0x5e: {  	_ =	shalt  }
0x5f: {  	_ =	shalt  }
0x60: {  	_ =	shalt  }
0x61: {  	_ =	shalt  }
0x62: {  	_ =	shalt  }
0x63: {  	_ =	shalt  }
0x64: {  	_ =	shalt  }
0x65: {  	_ =	shalt  }
0x66: {  	_ =	shalt  }
0x67: {  	_ =	shalt  }
0x68: {  	_ =	shalt  }
0x69: {  	_ =	shalt  }
0x6a: {  	_ =	shalt  }
0x6b: {  	_ =	shalt  }
0x6c: {  	_ =	shalt  }
0x6d: {  	_ =	shalt  }
0x6e: {  	_ =	shalt  }
0x6f: {  	_ =	shalt  }
0x70: {  	_ =	shalt  }
0x71: {  	_ =	shalt  }
0x72: {  	_ =	shalt  }
0x73: {  	_ =	shalt  }
0x74: {  	_ =	shalt  }
0x75: {  	_ =	shalt  }
0x76: {  	_ =	shalt  }
0x77: {  	_ =	shalt  }
0x78: {  	_ =	shalt  }
0x79: {  	_ =	shalt  }
0x7a: {  	_ =	shalt  }
0x7b: {  	_ =	shalt  }
0x7c: {  	_ =	shalt  }
0x7d: {  	_ =	shalt  }
0x7e: {  	_ =	shalt  }
0x7f: {  	_ =	shalt  }
0x80: {  	_ =	shalt  }
0x81: {  	_ =	shalt  }
0x82: {  	_ =	shalt  }
0x83: {  	_ =	shalt  }
0x84: {  	_ =	shalt  }
0x85: {  	_ =	shalt  }
0x86: {  	_ =	shalt  }
0x87: {  	_ =	shalt  }
.Lfunc_end0:
.L_simem_size_0:
called_computation_lowered:
.L_overlay_start_0:
0x88: {  	s2 =	sld [smem:$0x3FD9]  }
0x89: {  	s3 =	sld [smem:$0x3FFE];
	_ =	sdelay $0x1  }
0x8a: {  	s1 =	srdreg.scid  }
0x8b: {  	s0 =	sand.u32 $0x1, s1  }
0x8c: {  	s17 =	sshll.u32 s0, $0xA;
	s2 =	sadd.s32 s3, s2  }
0x8d: {  	s2 =	sadd.s32 s2, s17  }
0x8e: {  	[smem:$0x3FB7] =	sst s2  }
0x8f: {  	_ = 	snop  }
0x90: {  	s2 =	sld [smem:$0x3FD0];
	(tm) =	ssettm $0x1  }
0x91: {  	s18 =	sld [smem:$0x3FFB];
	_ =	sdelay $0x3  }
0x92: {  	_ =	strace s18  }
0x93: {  	s3 =	sld [smem:$0x3FFC];
	_ =	sdelay $0x3  }
0x94: {  	_ =	strace s3  }
0x95: {  	s3 =	sld [smem:$0x3FFD];
	_ =	sdelay $0x3  }
0x96: {  	_ =	strace s3  }
0x97: {  	_ =	strace $0x8FFFFFFF  }
0x98: {  	s19 =	sld [smem:$0x3FDB];
	_ =	sdelay $0x1  }
0x99: {  	s4 =	simm.s32 $_scs_section_size  }
0x9a: {  	s5 =	simm.s32 $_size__tile_overlayer_lowered;
	s6 =	simm.s32 $_tile_overlayer_lowered  }
0x9b: {  	s22 =	simm.s32 $0x1BFF;
	s21 =	sshll.u32 s6, $0x1;
	s3 =	sadd.s32 s4, s19  }
0x9c: {  	s7 =	simm.s32 $0x0;
	s20 =	sshll.u32 s5, $0x1;
	s5 =	sadd.s32 s21, s3  }
0x9d: {  	[timem:s7], [sflag:s22] =	dma.local [hbm:s5], s20  }
0x9e: {  	_ =	swait.ge [sflag:s22], s20  }
0x9f: {  	s4 =	ssub.s32 $0x0, s20;
	[sflag:s22] =	ssyncset.done $0x0  }
0xa0: {  	[sflag:s22] =	ssyncadd.s32 s4;
	_ =	sdelay $0x1  }
0xa1: {  	s23 =	simm.s32 $0x1B8B  }
0xa2: {  	_ =	swait.ge [sflag:s23], $0x1  }
0xa3: {  	[sflag:s23] =	ssyncset.done $0x0  }
0xa4: {  	s25 =	simm.s32 $0x1B8E;
	s24 =	sld [smem:$0x3FFE];
	[sflag:s23] =	ssyncadd.s32 $0xFFFFFFFF  }
0xa5: {  	s26 =	simm.s32 $execute0_lowered;
	[smem:$0x3FD2] =	sst s25  }
0xa6: {  	s5 =	sshll.u32 s26, $0x1;
	_ =	strace $0x80000046;
	[dreg:$0x1] =	wrdreg $0xFFFFFFFF  }
0xa7: {  	s28 =	simm.s32 $_size_execute0_lowered;
	s3 =	sadd.s32 s3, s5;
	[dreg:$0x0] =	wrdreg $0x0  }
0xa8: {  	s5 =	sshll.u32 s28, $0x1;
	[dreg:$0x2] =	wrdreg s3  }
0xa9: {  	[dreg:$0x3] =	wrdreg s5  }
0xaa: {  	[dreg:$0x4] =	wrdreg $0xC0  }
0xab: {  	_ =	task [dreg:s7], $0x5FFFF  }
0xac: {  	[dreg:$0x1] =	wrdreg $0xFFFFFFFF  }
0xad: {  	[dreg:$0x0] =	wrdreg $0x60  }
0xae: {  	[dreg:$0x2] =	wrdreg s24  }
0xaf: {  	[dreg:$0x3] =	wrdreg s2  }
0xb0: {  	[dreg:$0x4] =	wrdreg $0x9  }
0xb1: {  	_ =	task.clear_ibuf [dreg:s7], $0x5FFFF;
	_ =	strace $0x90000046  }
0xb2: {  	s29 =	simm.s32 $0x9;
	_ =	strace $0x80000048  }
0xb3: {  	_ =	swait.ge [sflag:s29], $0x1  }
0xb4: {  	[sflag:s29] =	ssyncadd.s32 $0xFFFFFFFF  }
0xb5: {  	_ =	strace $0x90000048  }
0xb6: {  	_ =	sfence  }
0xb7: {  	s30 =	sld [smem:$0x0];
	_ =	sdelay $0x2  }
0xb8: {  	s31 =	sshll.u32 s1, $0xD;
	s1 =	sshrl.u32 s1, $0x2  }
0xb9: {  	s3 =	sand.u32 $0x4000, s31;
	s1 =	sadd.s32 s1, s30  }
0xba: {  	s0 =	sor.u32 s3, s0;
	s1 =	sshll.u32 s1, $0x11  }
0xbb: {  	s0 =	sor.u32 s1, s0  }
0xbc: {  	s0 =	sadd.s32 $0x8F2B, s0  }
0xbd: {  	[sflag:s0] =	ssyncadd.remote.s32 $0x1  }
0xbe: {  	_ =	sfence.sel $0xFFFF  }
0xbf: {  	[dreg:$0x0] =	wrdreg $0xFFFFFFFF;
	(pc) =	sbr.abs _section_cstart, $3  }
0xc0: {  	[dreg:$0x1] =	wrdreg $0xFFFFFFFF  }
0xc1: {  	_ =	task.clear_ibuf [dreg:s7], $0x2FFFF;
	_ =	strace $0x9FFFFFFF  }
0xc2: {  	(tm) =	ssettm $0x7FFFFFFF  }
0xc3: {  	_ =	shalt  }
tec
execute0_lowered:
.L_overlay_start_1:
0x0: {  	(tag) =	ssettag $0x1  }
0x1: {  	s5 =	rddreg [dreg:$0x0]  }
0x2: {  	s10 =	rddreg [dreg:$0x1]  }
0x3: {  	s0 =	rddreg [dreg:$0x2];
	s1 =	simm.s32 $0x0  }
0x4: {  	s2 =	stileid.u32;
	s6 =	srdreg.scid;
	s13 =	simm.s32 $0x80  }
0x5: {  	s14 =	simm.s32 $0x100;
	s15 =	simm.s32 $0x4100;
	s16 =	simm.s32 $0x18100  }
0x6: {  	v0 =	vlaneseq.u32;
	s17 =	simm.s32 $0x1;
	s18 =	simm.s32 $0x18300;
	s19 =	simm.s32 $0x2  }
0x7: {  	s20 =	simm.s32 $0x0;
	[smem:$0x7FF] =	sst s1;
	s3 =	sadd.s32 $0x3600, s5;
	v0 =	vmul.u32 $0x4, v0  }
0x8: {  	s9 =	sadd.s32 $0xC3600, s5;
	s4 =	sadd.s32 $0xCB600, s5;
	s7 =	sshll.u32 s2, $0x12  }
0x9: {  	s6 =	sand.u32 $0x1, s6;
	s11 =	sshll.u32 s2, $0xE;
	_ =	strace $0x80000047;
	v1 =	vor.u32 $0x1, v0;
	v2 =	vor.u32 $0x2, v0  }
0xa: {  	s8 =	ssub.s32 $0x2, s6;
	s12 =	sshll.u32 s6, $0xD;
	s7 =	sadd.s32 s7, s5;
	v3 =	vor.u32 $0x40, v0;
	v4 =	vor.u32 $0x41, v0;
	v5 =	vor.u32 $0x42, v0  }
0xb: {  	s6 =	sshll.u32 s6, $0x11;
	s29 =	sshrl.u32 s8, $0x1;
	s11 =	sor.u32 s12, s11;
	v6 =	vor.u32 $0x80, v0;
	v7 =	vor.u32 $0x81, v0;
	v8 =	vor.u32 $0x82, v0  }
0xc: {  	s6 =	sadd.s32 s6, s7;
	v9 =	vor.u32 $0xC0, v0;
	v10 =	vor.u32 $0xC1, v0;
	v11 =	vor.u32 $0xC2, v0;
	s5 =	ssub.s32 s8, s29;
	s30 =	sor.u32 $0x80, s11  }
0xd: {  	v12 =	vor.u32 $0x100, v0;
	v13 =	vor.u32 $0x101, v0;
	v14 =	vor.u32 $0x102, v0;
	s6 =	sadd.s32 $0xCD600, s6;
	s12 =	sshrl.u32 s11, $0x3;
	s11 =	sshrl.u32 s11, $0x1  }
0xe: {  	v15 =	vor.u32 $0x140, v0;
	v16 =	vor.u32 $0x141, v0;
	v17 =	vor.u32 $0x142, v0;
	s5 =	smax.u32 s5, $0x1;
	s31 =	sshrl.u32 s30, $0x1;
	s8 =	sshrl.u32 s30, $0x3  }
0xf: {  	v18 =	vor.u32 $0x180, v0;
	v19 =	vor.u32 $0x181, v0;
	v20 =	vor.u32 $0x182, v0;
	s7 =	sadd.s32 s31, s10;
	s8 =	sadd.s32 s8, s9;
	s9 =	sadd.s32 s12, s9  }
0x10: {  	v21 =	vor.u32 $0x1C0, v0;
	v22 =	vor.u32 $0x1C1, v0;
	v23 =	vor.u32 $0x1C2, v0;
	s10 =	sadd.s32 s11, s10;
	s11 =	simm.s32 $0x8100;
	s12 =	simm.s32 $0x3  }
.LBB2_1:
0x11: {  	[tilespmem:s11], [sflag:$0x3] =	stream.linear.gather [hbm4b:s4+s1], $0x10000, $0x38;
	[tilespmem:$0x18500] =	vst v63  }
0x12: {  	s21 =	smov.u32 s10;
	_ =	swait.ge [sflag:s12], $0x10000  }
0x13: {  	s22 =	smov.u32 s9;
	s23 =	smov.u32 s8;
	[sflag:s12] =	ssyncset.done $0x0  }
0x14: {  	s24 =	smov.u32 s7;
	s25 =	simm.s32 $0x0;
	[sflag:s12] =	ssyncadd.s32 $0xFFFF0000  }
.LBB2_2:
0x15: {  	[tilespmem:s1], [sflag:$0x3] =	stream.linear.gather [hbm4b:s22+s1], $0x80, $0x38;
	[tilespmem:$0x18500] =	vst v63  }
0x16: {  	_ =	swait.ge [sflag:s12], $0x80  }
0x17: {  	[sflag:s12] =	ssyncset.done $0x0  }
0x18: {  	[sflag:s12] =	ssyncadd.s32 $0xFFFFFF80  }
0x19: {  	[tilespmem:s14], [sflag:$0x1] =	stream.indirect.gather [hbm4b:s3+s13], $0x80, s1, s13, $0xb8;
	[tilespmem:$0x18500] =	vst v63  }
0x1a: {  	_ = 	snop  }
0x1b: {  	[tilespmem:s13], [sflag:$0x3] =	stream.linear.gather [hbm4b:s23+s1], $0x80, $0x38;
	[tilespmem:$0x18500] =	vst v63  }
0x1c: {  	_ =	swait.ge [sflag:s12], $0x80  }
0x1d: {  	[sflag:s12] =	ssyncset.done $0x0  }
0x1e: {  	[sflag:s12] =	ssyncadd.s32 $0xFFFFFF80  }
0x1f: {  	[tilespmem:s15], [sflag:$0x2] =	stream.indirect.gather [hbm4b:s3+s13], $0x80, s13, s13, $0xb8;
	[tilespmem:$0x18500] =	vst v63  }
0x20: {  	v24 =	vld [tilespmem:$0x0];
	_ =	sdelay $0x4  }
0x21: {  	v24 =	vshll.u32 v24, $0x2;
	_ =	sdelay $0x4  }
0x22: {  	v25 =	vld.idx.msk [tilespmem:v24+s11+$0x0], $0xffff  }
0x23: {  	v26 =	vor.u32 $0x1, v24;
	_ =	sdelay $0x3  }
0x24: {  	[tilespmem:v0+s16+$0x0] =	vst.idx.msk $0xffff, v25  }
0x25: {  	v25 =	vld.idx.msk [tilespmem:v26+s11+$0x0], $0xffff  }
0x26: {  	v24 =	vor.u32 $0x2, v24;
	_ =	sdelay $0x3  }
0x27: {  	[tilespmem:v1+s16+$0x0] =	vst.idx.msk $0xffff, v25  }
0x28: {  	v24 =	vld.idx.msk [tilespmem:v24+s11+$0x0], $0xffff;
	_ =	sdelay $0x4  }
0x29: {  	[tilespmem:v2+s16+$0x0] =	vst.idx.msk $0xffff, v24  }
0x2a: {  	v24 =	vld [tilespmem:$0x10];
	_ =	sdelay $0x4  }
0x2b: {  	v24 =	vshll.u32 v24, $0x2;
	_ =	sdelay $0x4  }
0x2c: {  	v25 =	vld.idx.msk [tilespmem:v24+s11+$0x0], $0xffff  }
0x2d: {  	v47 =	vor.u32 $0x1, v24;
	_ =	sdelay $0x3  }
0x2e: {  	[tilespmem:v3+s16+$0x0] =	vst.idx.msk $0xffff, v25  }
0x2f: {  	v25 =	vld.idx.msk [tilespmem:v47+s11+$0x0], $0xffff  }
0x30: {  	v24 =	vor.u32 $0x2, v24;
	_ =	sdelay $0x3  }
0x31: {  	[tilespmem:v4+s16+$0x0] =	vst.idx.msk $0xffff, v25  }
0x32: {  	v24 =	vld.idx.msk [tilespmem:v24+s11+$0x0], $0xffff;
	_ =	sdelay $0x4  }
0x33: {  	[tilespmem:v5+s16+$0x0] =	vst.idx.msk $0xffff, v24  }
0x34: {  	v24 =	vld [tilespmem:$0x20];
	_ =	sdelay $0x4  }
0x35: {  	v24 =	vshll.u32 v24, $0x2;
	_ =	sdelay $0x4  }
0x36: {  	v25 =	vld.idx.msk [tilespmem:v24+s11+$0x0], $0xffff  }
0x37: {  	v48 =	vor.u32 $0x1, v24;
	_ =	sdelay $0x3  }
0x38: {  	[tilespmem:v6+s16+$0x0] =	vst.idx.msk $0xffff, v25  }
0x39: {  	v25 =	vld.idx.msk [tilespmem:v48+s11+$0x0], $0xffff  }
0x3a: {  	v24 =	vor.u32 $0x2, v24;
	_ =	sdelay $0x3  }
0x3b: {  	[tilespmem:v7+s16+$0x0] =	vst.idx.msk $0xffff, v25  }
0x3c: {  	v24 =	vld.idx.msk [tilespmem:v24+s11+$0x0], $0xffff;
	_ =	sdelay $0x4  }
0x3d: {  	[tilespmem:v8+s16+$0x0] =	vst.idx.msk $0xffff, v24  }
0x3e: {  	v24 =	vld [tilespmem:$0x30];
	_ =	sdelay $0x4  }
0x3f: {  	v24 =	vshll.u32 v24, $0x2;
	_ =	sdelay $0x4  }
0x40: {  	v25 =	vld.idx.msk [tilespmem:v24+s11+$0x0], $0xffff  }
0x41: {  	v49 =	vor.u32 $0x1, v24;
	_ =	sdelay $0x3  }
0x42: {  	[tilespmem:v9+s16+$0x0] =	vst.idx.msk $0xffff, v25  }
0x43: {  	v25 =	vld.idx.msk [tilespmem:v49+s11+$0x0], $0xffff  }
0x44: {  	v24 =	vor.u32 $0x2, v24;
	_ =	sdelay $0x3  }
0x45: {  	[tilespmem:v10+s16+$0x0] =	vst.idx.msk $0xffff, v25  }
0x46: {  	v24 =	vld.idx.msk [tilespmem:v24+s11+$0x0], $0xffff;
	_ =	sdelay $0x4  }
0x47: {  	[tilespmem:v11+s16+$0x0] =	vst.idx.msk $0xffff, v24  }
0x48: {  	v24 =	vld [tilespmem:$0x40];
	_ =	sdelay $0x4  }
0x49: {  	v24 =	vshll.u32 v24, $0x2;
	_ =	sdelay $0x4  }
0x4a: {  	v25 =	vld.idx.msk [tilespmem:v24+s11+$0x0], $0xffff  }
0x4b: {  	v50 =	vor.u32 $0x1, v24;
	_ =	sdelay $0x3  }
0x4c: {  	[tilespmem:v12+s16+$0x0] =	vst.idx.msk $0xffff, v25  }
0x4d: {  	v25 =	vld.idx.msk [tilespmem:v50+s11+$0x0], $0xffff  }
0x4e: {  	v24 =	vor.u32 $0x2, v24;
	_ =	sdelay $0x3  }
0x4f: {  	[tilespmem:v13+s16+$0x0] =	vst.idx.msk $0xffff, v25  }
0x50: {  	v24 =	vld.idx.msk [tilespmem:v24+s11+$0x0], $0xffff;
	_ =	sdelay $0x4  }
0x51: {  	[tilespmem:v14+s16+$0x0] =	vst.idx.msk $0xffff, v24  }
0x52: {  	v24 =	vld [tilespmem:$0x50];
	_ =	sdelay $0x4  }
0x53: {  	v24 =	vshll.u32 v24, $0x2;
	_ =	sdelay $0x4  }
0x54: {  	v25 =	vld.idx.msk [tilespmem:v24+s11+$0x0], $0xffff  }
0x55: {  	v51 =	vor.u32 $0x1, v24;
	_ =	sdelay $0x3  }
0x56: {  	[tilespmem:v15+s16+$0x0] =	vst.idx.msk $0xffff, v25  }
0x57: {  	v25 =	vld.idx.msk [tilespmem:v51+s11+$0x0], $0xffff  }
0x58: {  	v24 =	vor.u32 $0x2, v24;
	_ =	sdelay $0x3  }
0x59: {  	[tilespmem:v16+s16+$0x0] =	vst.idx.msk $0xffff, v25  }
0x5a: {  	v24 =	vld.idx.msk [tilespmem:v24+s11+$0x0], $0xffff;
	_ =	sdelay $0x4  }
0x5b: {  	[tilespmem:v17+s16+$0x0] =	vst.idx.msk $0xffff, v24  }
0x5c: {  	v24 =	vld [tilespmem:$0x60];
	_ =	sdelay $0x4  }
0x5d: {  	v24 =	vshll.u32 v24, $0x2;
	_ =	sdelay $0x4  }
0x5e: {  	v25 =	vld.idx.msk [tilespmem:v24+s11+$0x0], $0xffff  }
0x5f: {  	v52 =	vor.u32 $0x1, v24;
	_ =	sdelay $0x3  }
0x60: {  	[tilespmem:v18+s16+$0x0] =	vst.idx.msk $0xffff, v25  }
0x61: {  	v25 =	vld.idx.msk [tilespmem:v52+s11+$0x0], $0xffff  }
0x62: {  	v24 =	vor.u32 $0x2, v24;
	_ =	sdelay $0x3  }
0x63: {  	[tilespmem:v19+s16+$0x0] =	vst.idx.msk $0xffff, v25  }
0x64: {  	v24 =	vld.idx.msk [tilespmem:v24+s11+$0x0], $0xffff;
	_ =	sdelay $0x4  }
0x65: {  	[tilespmem:v20+s16+$0x0] =	vst.idx.msk $0xffff, v24  }
0x66: {  	v24 =	vld [tilespmem:$0x70];
	_ =	sdelay $0x4  }
0x67: {  	v24 =	vshll.u32 v24, $0x2;
	_ =	sdelay $0x4  }
0x68: {  	v25 =	vld.idx.msk [tilespmem:v24+s11+$0x0], $0xffff  }
0x69: {  	v53 =	vor.u32 $0x1, v24;
	_ =	sdelay $0x3  }
0x6a: {  	[tilespmem:v21+s16+$0x0] =	vst.idx.msk $0xffff, v25  }
0x6b: {  	v25 =	vld.idx.msk [tilespmem:v53+s11+$0x0], $0xffff  }
0x6c: {  	v24 =	vor.u32 $0x2, v24;
	_ =	sdelay $0x3  }
0x6d: {  	[tilespmem:v22+s16+$0x0] =	vst.idx.msk $0xffff, v25  }
0x6e: {  	v24 =	vld.idx.msk [tilespmem:v24+s11+$0x0], $0xffff;
	_ =	sdelay $0x4  }
0x6f: {  	[tilespmem:v23+s16+$0x0] =	vst.idx.msk $0xffff, v24  }
0x70: {  	_ =	swait.ge [sflag:s17], $0x4000  }
0x71: {  	[sflag:s17] =	ssyncset.done $0x0  }
0x72: {  	s26 =	sadd.s32 s25, s6;
	[sflag:s17] =	ssyncadd.s32 $0xFFFFC000  }
0x73: {  	[hbm4b:s26+s1] =	stream.linear.scatter [tilespmem:s14], [sflag:$0x3], $0x4000, $0x38;
	[tilespmem:$0x18500] =	vst v63  }
0x74: {  	_ =	swait.ge [sflag:s12], $0x4000  }
0x75: {  	[sflag:s12] =	ssyncset.done $0x0  }
0x76: {  	[sflag:s12] =	ssyncadd.s32 $0xFFFFC000  }
0x77: {  	[hbm4b:s21+s1] =	stream.linear.scatter [tilespmem:s16], [sflag:$0x3], $0x200, $0x38;
	[tilespmem:$0x18500] =	vst v63  }
0x78: {  	_ =	swait.ge [sflag:s12], $0x200  }
0x79: {  	[sflag:s12] =	ssyncset.done $0x0  }
0x7a: {  	[sflag:s12] =	ssyncadd.s32 $0xFFFFFE00  }
0x7b: {  	v54 =	vld [tilespmem:$0x80];
	_ =	sdelay $0x4  }
0x7c: {  	v24 =	vshll.u32 v54, $0x2;
	_ =	sdelay $0x4  }
0x7d: {  	v55 =	vld.idx.msk [tilespmem:v24+s11+$0x0], $0xffff  }
0x7e: {  	v56 =	vor.u32 $0x1, v24;
	_ =	sdelay $0x3  }
0x7f: {  	[tilespmem:v0+s18+$0x0] =	vst.idx.msk $0xffff, v55  }
0x80: {  	v25 =	vld.idx.msk [tilespmem:v56+s11+$0x0], $0xffff  }
0x81: {  	v24 =	vor.u32 $0x2, v24;
	_ =	sdelay $0x3  }
0x82: {  	[tilespmem:v1+s18+$0x0] =	vst.idx.msk $0xffff, v25  }
0x83: {  	v24 =	vld.idx.msk [tilespmem:v24+s11+$0x0], $0xffff;
	_ =	sdelay $0x4  }
0x84: {  	[tilespmem:v2+s18+$0x0] =	vst.idx.msk $0xffff, v24  }
0x85: {  	v24 =	vld [tilespmem:$0x90];
	_ =	sdelay $0x4  }
0x86: {  	v24 =	vshll.u32 v24, $0x2;
	_ =	sdelay $0x4  }
0x87: {  	v25 =	vld.idx.msk [tilespmem:v24+s11+$0x0], $0xffff  }
0x88: {  	v57 =	vor.u32 $0x1, v24;
	_ =	sdelay $0x3  }
0x89: {  	[tilespmem:v3+s18+$0x0] =	vst.idx.msk $0xffff, v25  }
0x8a: {  	v25 =	vld.idx.msk [tilespmem:v57+s11+$0x0], $0xffff  }
0x8b: {  	v24 =	vor.u32 $0x2, v24;
	_ =	sdelay $0x3  }
0x8c: {  	[tilespmem:v4+s18+$0x0] =	vst.idx.msk $0xffff, v25  }
0x8d: {  	v24 =	vld.idx.msk [tilespmem:v24+s11+$0x0], $0xffff;
	_ =	sdelay $0x4  }
0x8e: {  	[tilespmem:v5+s18+$0x0] =	vst.idx.msk $0xffff, v24  }
0x8f: {  	v24 =	vld [tilespmem:$0xA0];
	_ =	sdelay $0x4  }
0x90: {  	v24 =	vshll.u32 v24, $0x2;
	_ =	sdelay $0x4  }
0x91: {  	v25 =	vld.idx.msk [tilespmem:v24+s11+$0x0], $0xffff  }
0x92: {  	v58 =	vor.u32 $0x1, v24;
	_ =	sdelay $0x3  }
0x93: {  	[tilespmem:v6+s18+$0x0] =	vst.idx.msk $0xffff, v25  }
0x94: {  	v25 =	vld.idx.msk [tilespmem:v58+s11+$0x0], $0xffff  }
0x95: {  	v24 =	vor.u32 $0x2, v24;
	_ =	sdelay $0x3  }
0x96: {  	[tilespmem:v7+s18+$0x0] =	vst.idx.msk $0xffff, v25  }
0x97: {  	v24 =	vld.idx.msk [tilespmem:v24+s11+$0x0], $0xffff;
	_ =	sdelay $0x4  }
0x98: {  	[tilespmem:v8+s18+$0x0] =	vst.idx.msk $0xffff, v24  }
0x99: {  	v24 =	vld [tilespmem:$0xB0];
	_ =	sdelay $0x4  }
0x9a: {  	v24 =	vshll.u32 v24, $0x2;
	_ =	sdelay $0x4  }
0x9b: {  	v25 =	vld.idx.msk [tilespmem:v24+s11+$0x0], $0xffff  }
0x9c: {  	v59 =	vor.u32 $0x1, v24;
	_ =	sdelay $0x3  }
0x9d: {  	[tilespmem:v9+s18+$0x0] =	vst.idx.msk $0xffff, v25  }
0x9e: {  	v25 =	vld.idx.msk [tilespmem:v59+s11+$0x0], $0xffff  }
0x9f: {  	v24 =	vor.u32 $0x2, v24;
	_ =	sdelay $0x3  }
0xa0: {  	[tilespmem:v10+s18+$0x0] =	vst.idx.msk $0xffff, v25  }
0xa1: {  	v24 =	vld.idx.msk [tilespmem:v24+s11+$0x0], $0xffff;
	_ =	sdelay $0x4  }
0xa2: {  	[tilespmem:v11+s18+$0x0] =	vst.idx.msk $0xffff, v24  }
0xa3: {  	v24 =	vld [tilespmem:$0xC0];
	_ =	sdelay $0x4  }
0xa4: {  	v24 =	vshll.u32 v24, $0x2;
	_ =	sdelay $0x4  }
0xa5: {  	v25 =	vld.idx.msk [tilespmem:v24+s11+$0x0], $0xffff  }
0xa6: {  	v60 =	vor.u32 $0x1, v24;
	_ =	sdelay $0x3  }
0xa7: {  	[tilespmem:v12+s18+$0x0] =	vst.idx.msk $0xffff, v25  }
0xa8: {  	v25 =	vld.idx.msk [tilespmem:v60+s11+$0x0], $0xffff  }
0xa9: {  	v24 =	vor.u32 $0x2, v24;
	_ =	sdelay $0x3  }
0xaa: {  	[tilespmem:v13+s18+$0x0] =	vst.idx.msk $0xffff, v25  }
0xab: {  	v24 =	vld.idx.msk [tilespmem:v24+s11+$0x0], $0xffff;
	_ =	sdelay $0x4  }
0xac: {  	[tilespmem:v14+s18+$0x0] =	vst.idx.msk $0xffff, v24  }
0xad: {  	v24 =	vld [tilespmem:$0xD0];
	_ =	sdelay $0x4  }
0xae: {  	v24 =	vshll.u32 v24, $0x2;
	_ =	sdelay $0x4  }
0xaf: {  	v25 =	vld.idx.msk [tilespmem:v24+s11+$0x0], $0xffff  }
0xb0: {  	v61 =	vor.u32 $0x1, v24;
	_ =	sdelay $0x3  }
0xb1: {  	[tilespmem:v15+s18+$0x0] =	vst.idx.msk $0xffff, v25  }
0xb2: {  	v25 =	vld.idx.msk [tilespmem:v61+s11+$0x0], $0xffff  }
0xb3: {  	v24 =	vor.u32 $0x2, v24;
	_ =	sdelay $0x3  }
0xb4: {  	[tilespmem:v16+s18+$0x0] =	vst.idx.msk $0xffff, v25  }
0xb5: {  	v24 =	vld.idx.msk [tilespmem:v24+s11+$0x0], $0xffff;
	_ =	sdelay $0x4  }
0xb6: {  	[tilespmem:v17+s18+$0x0] =	vst.idx.msk $0xffff, v24  }
0xb7: {  	v24 =	vld [tilespmem:$0xE0];
	_ =	sdelay $0x4  }
0xb8: {  	v24 =	vshll.u32 v24, $0x2;
	_ =	sdelay $0x4  }
0xb9: {  	v25 =	vld.idx.msk [tilespmem:v24+s11+$0x0], $0xffff  }
0xba: {  	v62 =	vor.u32 $0x1, v24;
	_ =	sdelay $0x3  }
0xbb: {  	[tilespmem:v18+s18+$0x0] =	vst.idx.msk $0xffff, v25  }
0xbc: {  	v25 =	vld.idx.msk [tilespmem:v62+s11+$0x0], $0xffff  }
0xbd: {  	v24 =	vor.u32 $0x2, v24;
	_ =	sdelay $0x3  }
0xbe: {  	[tilespmem:v19+s18+$0x0] =	vst.idx.msk $0xffff, v25  }
0xbf: {  	v24 =	vld.idx.msk [tilespmem:v24+s11+$0x0], $0xffff;
	_ =	sdelay $0x4  }
0xc0: {  	[tilespmem:v20+s18+$0x0] =	vst.idx.msk $0xffff, v24  }
0xc1: {  	v24 =	vld [tilespmem:$0xF0];
	_ =	sdelay $0x4  }
0xc2: {  	v24 =	vshll.u32 v24, $0x2;
	_ =	sdelay $0x4  }
0xc3: {  	v25 =	vld.idx.msk [tilespmem:v24+s11+$0x0], $0xffff  }
0xc4: {  	v63 =	vor.u32 $0x1, v24;
	_ =	sdelay $0x3  }
0xc5: {  	[tilespmem:v21+s18+$0x0] =	vst.idx.msk $0xffff, v25  }
0xc6: {  	v25 =	vld.idx.msk [tilespmem:v63+s11+$0x0], $0xffff  }
0xc7: {  	v24 =	vor.u32 $0x2, v24;
	_ =	sdelay $0x3  }
0xc8: {  	[tilespmem:v22+s18+$0x0] =	vst.idx.msk $0xffff, v25  }
0xc9: {  	v24 =	vld.idx.msk [tilespmem:v24+s11+$0x0], $0xffff;
	_ =	sdelay $0x4  }
0xca: {  	[tilespmem:v23+s18+$0x0] =	vst.idx.msk $0xffff, v24  }
0xcb: {  	_ =	swait.ge [sflag:s19], $0x4000  }
0xcc: {  	[sflag:s19] =	ssyncset.done $0x0  }
0xcd: {  	s26 =	sadd.s32 $0x800, s26;
	[sflag:s19] =	ssyncadd.s32 $0xFFFFC000  }
0xce: {  	[hbm4b:s26+s1] =	stream.linear.scatter [tilespmem:s15], [sflag:$0x3], $0x4000, $0x38;
	[tilespmem:$0x18500] =	vst v63  }
0xcf: {  	_ =	swait.ge [sflag:s12], $0x4000  }
0xd0: {  	p0 =	sne.s32 s25, $0x1F000;
	[sflag:s12] =	ssyncset.done $0x0  }
.Ltmp0:
0xd1: {  	[sflag:s12] =	ssyncadd.s32 $0xFFFFC000;
	(pc) =	sbr.rel @p0 .LBB2_2-.Ltmp0, $4  }
0xd2: {  	[hbm4b:s24+s1] =	stream.linear.scatter [tilespmem:s18], [sflag:$0x3], $0x200, $0x38;
	[tilespmem:$0x18500] =	vst v63  }
0xd3: {  	s22 =	sadd.s32 $0x20, s22;
	_ =	swait.ge [sflag:s12], $0x200  }
0xd4: {  	s25 =	sadd.s32 $0x1000, s25;
	s23 =	sadd.s32 $0x20, s23;
	[sflag:s12] =	ssyncset.done $0x0  }
0xd5: {  	s21 =	sadd.s32 $0x80, s21;
	s24 =	sadd.s32 $0x80, s24;
	[sflag:s12] =	ssyncadd.s32 $0xFFFFFE00  }
0xd6: {  	s20 =	sadd.s32 $0x1, s20  }
0xd7: {  	p0 =	sne.s32 s20, s5  }
.Ltmp1:
0xd8: {  	_ = 	snop;
	(pc) =	sbr.rel @p0 .LBB2_1-.Ltmp1, $1  }
0xd9: {  	_ =	sdelay $0x3  }
0xda: {  	_ =	sfence.sel $0x180000  }
0xdb: {  	[bflag:$0x0] =	sbarrier.arrive $0xFFFF  }
0xdc: {  	p0 =	sne.s32 s2, $0x0;
	_ =	strace $0x90000047  }
0xdd: {  	s0 =	sadd.s32 @!p0 $0x100000, s0;
	[bflag:$0x2] =	sbarrier.arrive $0xFFFF  }
0xde: {  	[sflag:s0] =	ssyncadd.tile.s32 @!p0 $0x1;
	_ =	shalt  }
.Lfunc_end2:
_tile_overlayer_lowered:
.L_overlay_start_2:
0xdf: {  	(tag) =	ssettag $0x2  }
0xe0: {  	s0 =	rddreg [dreg:$0x0];
	s2 =	stileid.u32  }
0xe1: {  	s1 =	rddreg [dreg:$0x1];
	p0 =	sne.s32 s2, $0x0  }
0xe2: {  	s3 =	rddreg [dreg:$0x2];
	[bflag:$0x3] =	sbarrier.arrive $0xFFFF;
	s2 =	simm.s32 @!p0 $0x1C03  }
0xe3: {  	[timem:s3], [sflag:s2] =	dma.local @!p0 [hbm:s0], s1  }
0xe4: {  	s0 =	simm.s32 @!p0 $0x3  }
0xe5: {  	_ =	swait.ge @!p0 [sflag:s0], s1  }
0xe6: {  	s1 =	ssub.s32 @!p0 $0x0, s1;
	[sflag:s0] =	ssyncset.done @!p0 $0x0  }
0xe7: {  	[sflag:s0] =	ssyncadd.s32 @!p0 s1  }
0xe8: {  	[bflag:$0x3] =	sbarrier.arrive $0xFFFF  }
0xe9: {  	_ =	shalt  }

</sc_bundles>
